<compile_context>
chip_gen: v7x
topology: tpu7x:2x2x1
jax: 0.10.2.dev20260603
libtpu: 0.0.44.dev20260713+nightly
codegen_flags: <defaults>
</compile_context>

<pallas_src>
import functools

import jax
import jax.numpy as jnp
from jax import lax
from jax.experimental import pallas as pl
from jax.experimental.pallas import tpu as pltpu, tpu_sc as plsc

_L = 2048
_NPAD = 104
_NBOX = 100
_GSTRIDE = 8
_LN2 = 0.6931471805599453
_A_TC = 40960


def _encode_kernel(a_ref, g_ref, gt_ref, o_ref):
    a = a_ref[...]
    ax1 = a[0:1, :]
    ay1 = a[1:2, :]
    ax2 = a[2:3, :]
    ay2 = a[3:4, :]
    aw = a[4:5, :]
    ah = a[5:6, :]
    acx = a[6:7, :]
    acy = a[7:8, :]

    g = g_ref[0]
    bx1 = g[:, 0:1]
    by1 = g[:, 1:2]
    bx2 = g[:, 2:3]
    by2 = g[:, 3:4]
    barea = g[:, 4:5]

    iw = jnp.maximum(jnp.minimum(ax2, bx2) - jnp.maximum(ax1, bx1), 0.0)
    ih = jnp.maximum(jnp.minimum(ay2, by2) - jnp.maximum(ay1, by1), 0.0)
    inter = iw * ih
    area_a = aw * ah
    union = area_a + barea - inter
    iou = inter / union

    max_iou = jnp.max(iou, axis=0, keepdims=True)
    sub = jax.lax.broadcasted_iota(jnp.int32, iou.shape, 0)
    midx = jnp.min(jnp.where(iou == max_iou, sub, _NPAD), axis=0,
                   keepdims=True)
    onehot = (sub == midx).astype(jnp.bfloat16)

    gtr = gt_ref[0]
    hi_f = jax.lax.bitcast_convert_type(
        jax.lax.bitcast_convert_type(gtr, jnp.uint32) & jnp.uint32(0xFFFF0000),
        jnp.float32)
    r1 = gtr - hi_f
    mid_f = jax.lax.bitcast_convert_type(
        jax.lax.bitcast_convert_type(r1, jnp.uint32) & jnp.uint32(0xFFFF0000),
        jnp.float32)
    lo = r1 - mid_f
    gt24 = jnp.concatenate(
        [hi_f.astype(jnp.bfloat16), mid_f.astype(jnp.bfloat16),
         lo.astype(jnp.bfloat16)], axis=0)
    g24 = jax.lax.dot_general(
        gt24, onehot, (((1,), (0,)), ((), ())),
        preferred_element_type=jnp.float32)
    g8 = (g24[0:8, :] + g24[8:16, :]) + g24[16:24, :]
    gx1 = g8[0:1, :]
    gy1 = g8[1:2, :]
    gx2 = g8[2:3, :]
    gy2 = g8[3:4, :]
    gcls = g8[5:6, :]

    gw = gx2 - gx1
    gh = gy2 - gy1
    gcx = gx1 + gw * 0.5
    gcy = gy1 + gh * 0.5

    tx = ((gcx - acx) / aw) / 0.1
    ty = ((gcy - acy) / ah) / 0.1
    tw = jnp.log(gw / aw) / 0.2
    th = jnp.log(gh / ah) / 0.2

    pos = max_iou >= 0.5
    ign = jnp.logical_and(max_iou >= 0.4, max_iou < 0.5)
    cls = jnp.where(pos, gcls, -1.0)
    cls = jnp.where(ign, -2.0, cls)

    out = jnp.concatenate(
        [tx, ty, tw, th, cls, cls, cls, cls], axis=0)
    out = jnp.where(jnp.isnan(out), -2.0, out)
    o_ref[0] = out




def _log_poly(x):
    bits = lax.bitcast_convert_type(x, jnp.int32)
    e = ((bits >> 23) & 0xFF) - 127
    m = lax.bitcast_convert_type(
        (bits & 0x7FFFFF) | 0x3F800000, jnp.float32)
    s = (m - 1.0) / (m + 1.0)
    s2 = s * s
    p = 1.0 / 11.0
    for c in (1.0 / 9.0, 1.0 / 7.0, 1.0 / 5.0, 1.0 / 3.0, 1.0):
        p = p * s2 + c
    return e.astype(jnp.float32) * _LN2 + 2.0 * s * p


def _sc_call(aT, gt_flat, B, A_pad):
    info = plsc.get_sparse_core_info()
    NC, NS = info.num_cores, info.num_subcores
    NW = NC * NS
    APW = A_pad // NW
    ngrp = APW // 16
    glen = gt_flat.shape[1]

    mesh = plsc.VectorSubcoreMesh(core_axis_name="c", subcore_axis_name="s")

    @functools.partial(
        pl.kernel, mesh=mesh,
        out_type=jax.ShapeDtypeStruct((B, 8, A_pad), jnp.float32),
        scratch_types=[
            pltpu.VMEM((8, APW), jnp.float32),
            pltpu.VMEM((glen, 16), jnp.float32),
            pltpu.VMEM((8, APW), jnp.float32),
            pltpu.SemaphoreType.DMA,
        ],
    )
    def k(aT_hbm, gt_hbm, out_hbm, a_v, g_v, o_v, sem):
        wid = lax.axis_index("s") * NC + lax.axis_index("c")
        base = wid * APW
        pltpu.sync_copy(aT_hbm.at[:, pl.ds(base, APW)], a_v)

        def one_batch(b):
            pltpu.sync_copy(gt_hbm.at[b], g_v)

            def one_group(t):
                off = t * 16
                ax1 = a_v[0, pl.ds(off, 16)]
                ay1 = a_v[1, pl.ds(off, 16)]
                ax2 = a_v[2, pl.ds(off, 16)]
                ay2 = a_v[3, pl.ds(off, 16)]
                aw = a_v[4, pl.ds(off, 16)]
                ah = a_v[5, pl.ds(off, 16)]
                acx = a_v[6, pl.ds(off, 16)]
                acy = a_v[7, pl.ds(off, 16)]
                area_a = aw * ah

                def one_gt(j, carry):
                    best, mx1, my1, mx2, my2, mcls = carry
                    r = j * _GSTRIDE
                    bx1 = g_v[r]
                    by1 = g_v[r + 1]
                    bx2 = g_v[r + 2]
                    by2 = g_v[r + 3]
                    barea = g_v[r + 4]
                    bcls = g_v[r + 5]
                    iw = jnp.maximum(
                        jnp.minimum(ax2, bx2) - jnp.maximum(ax1, bx1), 0.0)
                    ih = jnp.maximum(
                        jnp.minimum(ay2, by2) - jnp.maximum(ay1, by1), 0.0)
                    inter = iw * ih
                    iou = inter / (area_a + barea - inter)
                    sel = iou > best
                    best = jnp.where(sel, iou, best)
                    mx1 = jnp.where(sel, bx1, mx1)
                    my1 = jnp.where(sel, by1, my1)
                    mx2 = jnp.where(sel, bx2, mx2)
                    my2 = jnp.where(sel, by2, my2)
                    mcls = jnp.where(sel, bcls, mcls)
                    return best, mx1, my1, mx2, my2, mcls

                z = jnp.zeros((16,), jnp.float32)
                best, gx1, gy1, gx2, gy2, gcls = lax.fori_loop(
                    0, _NBOX, one_gt,
                    (jnp.full((16,), -1.0, jnp.float32), z, z, z, z, z))

                gw = gx2 - gx1
                gh = gy2 - gy1
                gcx = gx1 + gw * 0.5
                gcy = gy1 + gh * 0.5
                tx = ((gcx - acx) / aw) / 0.1
                ty = ((gcy - acy) / ah) / 0.1
                tw = _log_poly(gw / aw) / 0.2
                th = _log_poly(gh / ah) / 0.2
                pos = best >= 0.5
                ign = jnp.logical_and(best >= 0.4, best < 0.5)
                cls = jnp.where(pos, gcls, -1.0)
                cls = jnp.where(ign, -2.0, cls)

                o_v[0, pl.ds(off, 16)] = tx
                o_v[1, pl.ds(off, 16)] = ty
                o_v[2, pl.ds(off, 16)] = tw
                o_v[3, pl.ds(off, 16)] = th
                o_v[4, pl.ds(off, 16)] = cls
                o_v[5, pl.ds(off, 16)] = cls
                o_v[6, pl.ds(off, 16)] = cls
                o_v[7, pl.ds(off, 16)] = cls

            pl.loop(0, ngrp)(one_group)
            pltpu.sync_copy(o_v, out_hbm.at[b, :, pl.ds(base, APW)])

        pl.loop(0, B)(one_batch)

    return k(aT, gt_flat)




def _tc_call(aT, gt_cols, gt_rowsT, B, A_tc):
    G = A_tc // _L
    return pl.pallas_call(
        _encode_kernel,
        grid=(G, B),
        in_specs=[
            pl.BlockSpec((8, _L), lambda g, b: (0, g)),
            pl.BlockSpec((1, _NPAD, 8), lambda g, b: (b, 0, 0)),
            pl.BlockSpec((1, 8, _NPAD), lambda g, b: (b, 0, 0)),
        ],
        out_specs=pl.BlockSpec((1, 8, _L), lambda g, b: (b, 0, g)),
        out_shape=jax.ShapeDtypeStruct((B, 8, A_tc), jnp.float32),
    )(aT, gt_cols, gt_rowsT)


@functools.partial(jax.jit, static_argnums=())
def kernel(images, gt_boxes, gt_classes, anchor_boxes):
    del images
    B, N = gt_classes.shape
    A = anchor_boxes.shape[0]
    A_sc_real = A - _A_TC
    A_sc = 512 * ((A_sc_real + 511) // 512)

    x1, y1, x2, y2 = (anchor_boxes[:, i] for i in range(4))
    aw = x2 - x1
    ah = y2 - y1
    acx = x1 + aw * 0.5
    acy = y1 + ah * 0.5
    aT = jnp.stack([x1, y1, x2, y2, aw, ah, acx, acy], axis=0)
    pad = jnp.broadcast_to(
        jnp.asarray([0.0, 0.0, 1.0, 1.0, 1.0, 1.0, 0.5, 0.5],
                    jnp.float32)[:, None], (8, _A_TC + A_sc - A))
    aT_tc = aT[:, :_A_TC]
    aT_sc = jnp.concatenate([aT[:, _A_TC:], pad], axis=1)

    gx1, gy1, gx2, gy2 = (gt_boxes[..., i] for i in range(4))
    area = (gx2 - gx1) * (gy2 - gy1)
    zeros = jnp.zeros_like(gx1)
    cols = jnp.stack([gx1, gy1, gx2, gy2, area, gt_classes, zeros, zeros],
                     axis=-1)
    gt_cols = jnp.pad(cols, ((0, 0), (0, _NPAD - N), (0, 0)))
    gt_rowsT = jnp.transpose(gt_cols, (0, 2, 1))
    gt_flat = cols.reshape(B, N * _GSTRIDE)
    gt_splat = jnp.repeat(gt_flat[..., None], 16, axis=-1)

    out_sc = _sc_call(aT_sc, gt_splat, B, A_sc)
    out_tc = _tc_call(aT_tc, gt_cols, gt_rowsT, B, _A_TC)

    box = jnp.concatenate(
        [jnp.transpose(out_tc[:, 0:4, :], (0, 2, 1)),
         jnp.transpose(out_sc[:, 0:4, :A_sc_real], (0, 2, 1))], axis=1)
    cls = jnp.concatenate(
        [out_tc[:, 4, :], out_sc[:, 4, :A_sc_real]], axis=1)
    return box, cls

# --- scband reference (transcript-rebuilt; emitter-appended) ---
"""Pipeline reference for scband-retina-net-label-encoder-12025908428822 (READ-ONLY COPY).

The authoritative reference and input builder live on the scoring server;
editing this copy changes nothing except your own understanding.
"""

import jax, jax.numpy as jnp
import numpy as np


def generate_anchors(image_size=512):
    strides = [8, 16, 32, 64, 128]
    sizes = [32.0, 64.0, 128.0, 256.0, 512.0]
    scales = [2 ** 0, 2 ** (1.0 / 3.0), 2 ** (2.0 / 3.0)]
    ratios = [0.5, 1.0, 2.0]
    all_anchors = []
    for stride, size in zip(strides, sizes):
        grid = image_size // stride
        cx = (np.arange(grid) + 0.5) * stride
        cy = (np.arange(grid) + 0.5) * stride
        cxg, cyg = np.meshgrid(cx, cy)
        centers = np.stack([cxg.ravel(), cyg.ravel()], axis=-1)
        whs = []
        for scale in scales:
            for ratio in ratios:
                area = (size * scale) ** 2
                w = np.sqrt(area / ratio)
                h = w * ratio
                whs.append([w, h])
    
        whs = np.array(whs, dtype=np.float64)
        ctr = np.repeat(centers, len(whs), axis=0)
        wh = np.tile(whs, (grid * grid, 1))
        boxes = np.concatenate([ctr - wh / 2.0, ctr + wh / 2.0], axis=-1)
        all_anchors.append(boxes)
    return np.concatenate(all_anchors, axis=0).astype(np.float32)


def setup_inputs(seed: int = 0) -> dict:
    key = jax.random.key(seed)
    k1, k2, k3, k4 = jax.random.split(key, 4)
    B, N, S = 8, 100, 512
    images = jax.random.normal(k1, (B, S, S, 3), dtype=jnp.float32)
    ctr = jax.random.uniform(k2, (B, N, 2), minval=0.0, maxval=float(S))
    wh = jax.random.uniform(k3, (B, N, 2), minval=8.0, maxval=160.0)
    x1y1 = jnp.clip(ctr - wh / 2.0, 0.0, float(S) - 2.0)
    x2y2 = jnp.clip(ctr + wh / 2.0, 0.0, float(S))
    x2y2 = jnp.maximum(x2y2, x1y1 + 1.0)
    gt_boxes = jnp.concatenate([x1y1, x2y2], axis=-1).astype(jnp.float32)
    gt_classes = jnp.floor(jax.random.uniform(k4, (B, N), minval=0.0, maxval=80.0)).astype(jnp.float32)
    anchor_boxes = jnp.asarray(generate_anchors(S))
    return {"images": images, "gt_boxes": gt_boxes, "gt_classes": gt_classes, "anchor_boxes": anchor_boxes}


def _pairwise_iou(anchors, boxes):
    # anchors: [A, 4] xyxy, boxes: [N, 4] xyxy -> [A, N]
    lt = jnp.maximum(anchors[:, None, :2], boxes[None, :, :2])
    rb = jnp.minimum(anchors[:, None, 2:], boxes[None, :, 2:])
    wh = jnp.clip(rb - lt, 0.0, None)
    inter = wh[..., 0] * wh[..., 1]
    area_a = (anchors[:, 2] - anchors[:, 0]) * (anchors[:, 3] - anchors[:, 1])
    area_b = (boxes[:, 2] - boxes[:, 0]) * (boxes[:, 3] - boxes[:, 1])
    union = area_a[:, None] + area_b[None, :] - inter
    return inter / jnp.maximum(union, 1e-8)


def _encode_one(gt_boxes, gt_classes, anchors, variance, positive_threshold, negative_threshold, background_class, ignore_class):
    iou = _pairwise_iou(anchors, gt_boxes)  # [A, N]
    # ArgmaxBoxMatcher
    matched_gt_idx = jnp.argmax(iou, axis=1)
    max_iou = jnp.max(iou, axis=1)
    positive_mask = (max_iou >= positive_threshold).astype(jnp.float32)
    ignore_mask = ((max_iou >= negative_threshold) & (max_iou < positive_threshold)).astype(jnp.float32)
    matched_gt_boxes = jnp.take(gt_boxes, matched_gt_idx, axis=0)  # gather
    # encode box to deltas (center-xywh delta encoding with variance)
    a_wh = anchors[:, 2:] - anchors[:, :2]
    a_c = anchors[:, :2] + a_wh / 2.0
    g_wh = matched_gt_boxes[:, 2:] - matched_gt_boxes[:, :2]
    g_c = matched_gt_boxes[:, :2] + g_wh / 2.0
    box_target = jnp.concatenate([(g_c - a_c) / a_wh, jnp.log(g_wh / a_wh)], axis=-1) / variance
    matched_gt_cls = jnp.take(gt_classes, matched_gt_idx, axis=0)  # target_gather
    cls_target = jnp.where(jnp.not_equal(positive_mask, 1.0), background_class, matched_gt_cls)
    cls_target = jnp.where(jnp.equal(ignore_mask, 1.0), ignore_class, cls_target)
    box_target = jnp.where(jnp.isnan(box_target), ignore_class, box_target)
    cls_target = jnp.where(jnp.isnan(cls_target), ignore_class, cls_target)
    return box_target, cls_target


def reference(images, gt_boxes, gt_classes, anchor_boxes):
    variance = jnp.asarray([0.1, 0.1, 0.2, 0.2], dtype=jnp.float32)
    encode = jax.vmap(lambda b, c: _encode_one(b, c, anchor_boxes, variance, 0.5, 0.4, -1.0, -2.0))
    encoded_box_targets, class_targets = encode(gt_boxes, gt_classes)
    return encoded_box_targets, class_targets

if __name__ == "__main__":
    import jax
    _d = setup_inputs()
    print(jax.jit(kernel)(*tuple(_d.values())))

</pallas_src>

<mosaic_0001>
#map = affine_map<(d0, d1) -> (0, 0)>
#map1 = affine_map<(d0, d1) -> (0, 0, 0)>
module attributes {stable_mosaic.version = 14 : i64} {
  func.func @k(%arg0: i32, %arg1: i32, %arg2: memref<8x8192xf32, #tpu.memory_space<hbm>>, %arg3: memref<8x800x16xf32, #tpu.memory_space<hbm>>, %arg4: memref<8x8x8192xf32, #tpu.memory_space<hbm>>, %arg5: memref<8x256xf32, #tpu.memory_space<vmem>>, %arg6: memref<800x16xf32, #tpu.memory_space<vmem>>, %arg7: memref<8x256xf32, #tpu.memory_space<vmem>>, %arg8: memref<!tpu.dma_semaphore, #tpu.memory_space<semaphore_mem>>) attributes {dimension_semantics = [#tpu.dimension_semantics<core_parallel>, #tpu.dimension_semantics<subcore_parallel>], iteration_bounds = array<i64: 2, 16>, scalar_prefetch = 0 : i64, scratch_operands = 4 : i64, tpu.core_type = #tpu.core_type<sc_vector_subcore>, window_params = [{transform_indices = #map}, {transform_indices = #map1}, {transform_indices = #map1}]} {
    %mul3A = arith.constant 2 : i32
    %mul3A_0 = arith.muli %arg1, %mul3A : i32
    %add3A = arith.addi %mul3A_0, %arg0 : i32
    %mul3A_1 = arith.constant 256 : i32
    %mul3A_2 = arith.muli %add3A, %mul3A_1 : i32
    "tpu.region"() ({
      %run_scoped3A = tpu.sem_alloc : memref<!tpu.dma_semaphore, #tpu.memory_space<semaphore_mem>>
      %dma_start3A = arith.constant 0 : i32
      %dma_start3A_7 = tpu.memref_slice %arg2[%dma_start3A, %mul3A_2] : memref<8x8192xf32, #tpu.memory_space<hbm>> -> memref<8x256xf32, #tpu.memory_space<hbm>>
      %dma_start3A_8 = arith.constant 0 : i32
      %dma_start3A_9 = tpu.memref_slice %arg2[%dma_start3A_8, %mul3A_2] : memref<8x8192xf32, #tpu.memory_space<hbm>> -> memref<8x256xf32, #tpu.memory_space<hbm>>
      tpu.enqueue_dma source(%dma_start3A_9 : memref<8x256xf32, #tpu.memory_space<hbm>>) target(%arg5 : memref<8x256xf32, #tpu.memory_space<vmem>>) target_semaphore(%run_scoped3A : memref<!tpu.dma_semaphore, #tpu.memory_space<semaphore_mem>>)
      %dma_wait3A = arith.constant 0 : i32
      %dma_wait3A_10 = tpu.memref_slice %arg2[%dma_wait3A, %mul3A_2] : memref<8x8192xf32, #tpu.memory_space<hbm>> -> memref<8x256xf32, #tpu.memory_space<hbm>>
      %dma_wait3A_11 = arith.constant 0 : i32
      %dma_wait3A_12 = tpu.memref_slice %arg2[%dma_wait3A_11, %mul3A_2] : memref<8x8192xf32, #tpu.memory_space<hbm>> -> memref<8x256xf32, #tpu.memory_space<hbm>>
      tpu.wait_dma2 semaphore(%run_scoped3A : memref<!tpu.dma_semaphore, #tpu.memory_space<semaphore_mem>>) src(%dma_wait3A_12 : memref<8x256xf32, #tpu.memory_space<hbm>>) dst(%arg5 : memref<8x256xf32, #tpu.memory_space<vmem>>)
      tpu.yield
    }) : () -> ()
    %scan3A = arith.constant 0 : i32
    %scan3A_3 = arith.constant 8 : i32
    %scan3A_4 = arith.addi %scan3A, %scan3A_3 : i32
    %scan3A_5 = arith.constant 1 : i32
    scf.for %scan3A_7 = %scan3A to %scan3A_4 step %scan3A_5  : i32 {
      %mul3A_8 = arith.constant 1 : i32
      %mul3A_9 = arith.muli %scan3A_7, %mul3A_8 : i32
      %add3A_10 = arith.constant 0 : i32
      %add3A_11 = arith.addi %add3A_10, %mul3A_9 : i32
      "tpu.region"() ({
        %run_scoped3A = tpu.sem_alloc : memref<!tpu.dma_semaphore, #tpu.memory_space<semaphore_mem>>
        %dma_start3A = arith.constant 0 : i32
        %dma_start3A_17 = arith.constant 0 : i32
        %dma_start3A_18 = tpu.memref_slice %arg3[%add3A_11, %dma_start3A, %dma_start3A_17] : memref<8x800x16xf32, #tpu.memory_space<hbm>> -> memref<1x800x16xf32, #tpu.memory_space<hbm>>
        %dma_start3A_19 = tpu.memref_squeeze %dma_start3A_18 : memref<1x800x16xf32, #tpu.memory_space<hbm>> -> memref<800x16xf32, #tpu.memory_space<hbm>>
        %dma_start3A_20 = arith.constant 0 : i32
        %dma_start3A_21 = arith.constant 0 : i32
        %dma_start3A_22 = tpu.memref_slice %arg3[%add3A_11, %dma_start3A_20, %dma_start3A_21] : memref<8x800x16xf32, #tpu.memory_space<hbm>> -> memref<1x800x16xf32, #tpu.memory_space<hbm>>
        %dma_start3A_23 = tpu.memref_squeeze %dma_start3A_22 : memref<1x800x16xf32, #tpu.memory_space<hbm>> -> memref<800x16xf32, #tpu.memory_space<hbm>>
        tpu.enqueue_dma source(%dma_start3A_23 : memref<800x16xf32, #tpu.memory_space<hbm>>) target(%arg6 : memref<800x16xf32, #tpu.memory_space<vmem>>) target_semaphore(%run_scoped3A : memref<!tpu.dma_semaphore, #tpu.memory_space<semaphore_mem>>)
        %dma_wait3A = arith.constant 0 : i32
        %dma_wait3A_24 = arith.constant 0 : i32
        %dma_wait3A_25 = tpu.memref_slice %arg3[%add3A_11, %dma_wait3A, %dma_wait3A_24] : memref<8x800x16xf32, #tpu.memory_space<hbm>> -> memref<1x800x16xf32, #tpu.memory_space<hbm>>
        %dma_wait3A_26 = tpu.memref_squeeze %dma_wait3A_25 : memref<1x800x16xf32, #tpu.memory_space<hbm>> -> memref<800x16xf32, #tpu.memory_space<hbm>>
        %dma_wait3A_27 = arith.constant 0 : i32
        %dma_wait3A_28 = arith.constant 0 : i32
        %dma_wait3A_29 = tpu.memref_slice %arg3[%add3A_11, %dma_wait3A_27, %dma_wait3A_28] : memref<8x800x16xf32, #tpu.memory_space<hbm>> -> memref<1x800x16xf32, #tpu.memory_space<hbm>>
        %dma_wait3A_30 = tpu.memref_squeeze %dma_wait3A_29 : memref<1x800x16xf32, #tpu.memory_space<hbm>> -> memref<800x16xf32, #tpu.memory_space<hbm>>
        tpu.wait_dma2 semaphore(%run_scoped3A : memref<!tpu.dma_semaphore, #tpu.memory_space<semaphore_mem>>) src(%dma_wait3A_30 : memref<800x16xf32, #tpu.memory_space<hbm>>) dst(%arg6 : memref<800x16xf32, #tpu.memory_space<vmem>>)
        tpu.yield
      }) : () -> ()
      %scan3A_12 = arith.constant 0 : i32
      %scan3A_13 = arith.constant 16 : i32
      %scan3A_14 = arith.addi %scan3A_12, %scan3A_13 : i32
      %scan3A_15 = arith.constant 1 : i32
      scf.for %scan3A_17 = %scan3A_12 to %scan3A_14 step %scan3A_15  : i32 {
        %mul3A_18 = arith.constant 1 : i32
        %mul3A_19 = arith.muli %scan3A_17, %mul3A_18 : i32
        %add3A_20 = arith.constant 0 : i32
        %add3A_21 = arith.addi %add3A_20, %mul3A_19 : i32
        %mul3A_22 = arith.constant 16 : i32
        %mul3A_23 = arith.muli %add3A_21, %mul3A_22 : i32
        %get3A = arith.constant 0 : i32
        %get3A_24 = arith.index_cast %get3A : i32 to index
        %get3A_25 = arith.index_cast %mul3A_23 : i32 to index
        %get3A_26 = tpu.vector_load %arg5[%get3A_24, %get3A_25] {strides = array<i32>} : memref<8x256xf32, #tpu.memory_space<vmem>>, vector<1x16xf32>,
        %get3A_27 = vector.shape_cast %get3A_26 : vector<1x16xf32> to vector<16xf32>
        %get3A_28 = arith.constant 1 : i32
        %get3A_29 = arith.index_cast %get3A_28 : i32 to index
        %get3A_30 = arith.index_cast %mul3A_23 : i32 to index
        %get3A_31 = tpu.vector_load %arg5[%get3A_29, %get3A_30] {strides = array<i32>} : memref<8x256xf32, #tpu.memory_space<vmem>>, vector<1x16xf32>,
        %get3A_32 = vector.shape_cast %get3A_31 : vector<1x16xf32> to vector<16xf32>
        %get3A_33 = arith.constant 2 : i32
        %get3A_34 = arith.index_cast %get3A_33 : i32 to index
        %get3A_35 = arith.index_cast %mul3A_23 : i32 to index
        %get3A_36 = tpu.vector_load %arg5[%get3A_34, %get3A_35] {strides = array<i32>} : memref<8x256xf32, #tpu.memory_space<vmem>>, vector<1x16xf32>,
        %get3A_37 = vector.shape_cast %get3A_36 : vector<1x16xf32> to vector<16xf32>
        %get3A_38 = arith.constant 3 : i32
        %get3A_39 = arith.index_cast %get3A_38 : i32 to index
        %get3A_40 = arith.index_cast %mul3A_23 : i32 to index
        %get3A_41 = tpu.vector_load %arg5[%get3A_39, %get3A_40] {strides = array<i32>} : memref<8x256xf32, #tpu.memory_space<vmem>>, vector<1x16xf32>,
        %get3A_42 = vector.shape_cast %get3A_41 : vector<1x16xf32> to vector<16xf32>
        %get3A_43 = arith.constant 4 : i32
        %get3A_44 = arith.index_cast %get3A_43 : i32 to index
        %get3A_45 = arith.index_cast %mul3A_23 : i32 to index
        %get3A_46 = tpu.vector_load %arg5[%get3A_44, %get3A_45] {strides = array<i32>} : memref<8x256xf32, #tpu.memory_space<vmem>>, vector<1x16xf32>,
        %get3A_47 = vector.shape_cast %get3A_46 : vector<1x16xf32> to vector<16xf32>
        %get3A_48 = arith.constant 5 : i32
        %get3A_49 = arith.index_cast %get3A_48 : i32 to index
        %get3A_50 = arith.index_cast %mul3A_23 : i32 to index
        %get3A_51 = tpu.vector_load %arg5[%get3A_49, %get3A_50] {strides = array<i32>} : memref<8x256xf32, #tpu.memory_space<vmem>>, vector<1x16xf32>,
        %get3A_52 = vector.shape_cast %get3A_51 : vector<1x16xf32> to vector<16xf32>
        %get3A_53 = arith.constant 6 : i32
        %get3A_54 = arith.index_cast %get3A_53 : i32 to index
        %get3A_55 = arith.index_cast %mul3A_23 : i32 to index
        %get3A_56 = tpu.vector_load %arg5[%get3A_54, %get3A_55] {strides = array<i32>} : memref<8x256xf32, #tpu.memory_space<vmem>>, vector<1x16xf32>,
        %get3A_57 = vector.shape_cast %get3A_56 : vector<1x16xf32> to vector<16xf32>
        %get3A_58 = arith.constant 7 : i32
        %get3A_59 = arith.index_cast %get3A_58 : i32 to index
        %get3A_60 = arith.index_cast %mul3A_23 : i32 to index
        %get3A_61 = tpu.vector_load %arg5[%get3A_59, %get3A_60] {strides = array<i32>} : memref<8x256xf32, #tpu.memory_space<vmem>>, vector<1x16xf32>,
        %get3A_62 = vector.shape_cast %get3A_61 : vector<1x16xf32> to vector<16xf32>
        %mul3A_63 = arith.mulf %get3A_47, %get3A_52 : vector<16xf32>
        %broadcast_in_dim3A = arith.constant 0.000000e+00 : f32
        %broadcast_in_dim3A_64 = vector.broadcast %broadcast_in_dim3A : f32 to vector<16xf32>
        %broadcast_in_dim3A_65 = arith.constant -1.000000e+00 : f32
        %broadcast_in_dim3A_66 = vector.broadcast %broadcast_in_dim3A_65 : f32 to vector<16xf32>
        %scan3A_67 = arith.constant 0 : i32
        %scan3A_68 = arith.constant 100 : i32
        %scan3A_69 = arith.addi %scan3A_67, %scan3A_68 : i32
        %scan3A_70 = arith.constant 1 : i32
        %scan3A_71:6 = scf.for %scan3A_265 = %scan3A_67 to %scan3A_69 step %scan3A_70 iter_args(%scan3A_266 = %broadcast_in_dim3A_66, %scan3A_267 = %broadcast_in_dim3A_64, %scan3A_268 = %broadcast_in_dim3A_64, %scan3A_269 = %broadcast_in_dim3A_64, %scan3A_270 = %broadcast_in_dim3A_64, %scan3A_271 = %broadcast_in_dim3A_64) -> (vector<16xf32>, vector<16xf32>, vector<16xf32>, vector<16xf32>, vector<16xf32>, vector<16xf32>)  : i32 {
          %mul3A_272 = arith.constant 8 : i32
          %mul3A_273 = arith.muli %scan3A_265, %mul3A_272 : i32
          %get3A_274 = arith.index_cast %mul3A_273 : i32 to index
          %get3A_275 = arith.constant 0 : index
          %get3A_276 = tpu.vector_load %arg6[%get3A_274, %get3A_275] {strides = array<i32>} : memref<800x16xf32, #tpu.memory_space<vmem>>, vector<1x16xf32>,
          %get3A_277 = vector.shape_cast %get3A_276 : vector<1x16xf32> to vector<16xf32>
          %add3A_278 = arith.constant 1 : i32
          %add3A_279 = arith.addi %mul3A_273, %add3A_278 : i32
          %get3A_280 = arith.index_cast %add3A_279 : i32 to index
          %get3A_281 = arith.constant 0 : index
          %get3A_282 = tpu.vector_load %arg6[%get3A_280, %get3A_281] {strides = array<i32>} : memref<800x16xf32, #tpu.memory_space<vmem>>, vector<1x16xf32>,
          %get3A_283 = vector.shape_cast %get3A_282 : vector<1x16xf32> to vector<16xf32>
          %add3A_284 = arith.constant 2 : i32
          %add3A_285 = arith.addi %mul3A_273, %add3A_284 : i32
          %get3A_286 = arith.index_cast %add3A_285 : i32 to index
          %get3A_287 = arith.constant 0 : index
          %get3A_288 = tpu.vector_load %arg6[%get3A_286, %get3A_287] {strides = array<i32>} : memref<800x16xf32, #tpu.memory_space<vmem>>, vector<1x16xf32>,
          %get3A_289 = vector.shape_cast %get3A_288 : vector<1x16xf32> to vector<16xf32>
          %add3A_290 = arith.constant 3 : i32
          %add3A_291 = arith.addi %mul3A_273, %add3A_290 : i32
          %get3A_292 = arith.index_cast %add3A_291 : i32 to index
          %get3A_293 = arith.constant 0 : index
          %get3A_294 = tpu.vector_load %arg6[%get3A_292, %get3A_293] {strides = array<i32>} : memref<800x16xf32, #tpu.memory_space<vmem>>, vector<1x16xf32>,
          %get3A_295 = vector.shape_cast %get3A_294 : vector<1x16xf32> to vector<16xf32>
          %add3A_296 = arith.constant 4 : i32
          %add3A_297 = arith.addi %mul3A_273, %add3A_296 : i32
          %get3A_298 = arith.index_cast %add3A_297 : i32 to index
          %get3A_299 = arith.constant 0 : index
          %get3A_300 = tpu.vector_load %arg6[%get3A_298, %get3A_299] {strides = array<i32>} : memref<800x16xf32, #tpu.memory_space<vmem>>, vector<1x16xf32>,
          %get3A_301 = vector.shape_cast %get3A_300 : vector<1x16xf32> to vector<16xf32>
          %add3A_302 = arith.constant 5 : i32
          %add3A_303 = arith.addi %mul3A_273, %add3A_302 : i32
          %get3A_304 = arith.index_cast %add3A_303 : i32 to index
          %get3A_305 = arith.constant 0 : index
          %get3A_306 = tpu.vector_load %arg6[%get3A_304, %get3A_305] {strides = array<i32>} : memref<800x16xf32, #tpu.memory_space<vmem>>, vector<1x16xf32>,
          %get3A_307 = vector.shape_cast %get3A_306 : vector<1x16xf32> to vector<16xf32>
          %min3A = arith.minimumf %get3A_37, %get3A_289 : vector<16xf32>
          %max3A = arith.maximumf %get3A_27, %get3A_277 : vector<16xf32>
          %sub3A_308 = arith.subf %min3A, %max3A : vector<16xf32>
          %max3A_309 = arith.constant 0.000000e+00 : f32
          %max3A_310 = vector.broadcast %max3A_309 : f32 to vector<16xf32>
          %max3A_311 = arith.maximumf %sub3A_308, %max3A_310 : vector<16xf32>
          %min3A_312 = arith.minimumf %get3A_42, %get3A_295 : vector<16xf32>
          %max3A_313 = arith.maximumf %get3A_32, %get3A_283 : vector<16xf32>
          %sub3A_314 = arith.subf %min3A_312, %max3A_313 : vector<16xf32>
          %max3A_315 = arith.constant 0.000000e+00 : f32
          %max3A_316 = vector.broadcast %max3A_315 : f32 to vector<16xf32>
          %max3A_317 = arith.maximumf %sub3A_314, %max3A_316 : vector<16xf32>
          %mul3A_318 = arith.mulf %max3A_311, %max3A_317 : vector<16xf32>
          %add3A_319 = arith.addf %mul3A_63, %get3A_301 : vector<16xf32>
          %sub3A_320 = arith.subf %add3A_319, %mul3A_318 : vector<16xf32>
          %div3A_321 = arith.divf %mul3A_318, %sub3A_320 : vector<16xf32>
          %gt3A = arith.cmpf ogt, %div3A_321, %scan3A_266 : vector<16xf32>
          %select_n3A_322 = arith.select %gt3A, %div3A_321, %scan3A_266 : vector<16xi1>, vector<16xf32>
          %select_n3A_323 = arith.select %gt3A, %get3A_277, %scan3A_267 : vector<16xi1>, vector<16xf32>
          %select_n3A_324 = arith.select %gt3A, %get3A_283, %scan3A_268 : vector<16xi1>, vector<16xf32>
          %select_n3A_325 = arith.select %gt3A, %get3A_289, %scan3A_269 : vector<16xi1>, vector<16xf32>
          %select_n3A_326 = arith.select %gt3A, %get3A_295, %scan3A_270 : vector<16xi1>, vector<16xf32>
          %select_n3A_327 = arith.select %gt3A, %get3A_307, %scan3A_271 : vector<16xi1>, vector<16xf32>
          scf.yield %select_n3A_322, %select_n3A_323, %select_n3A_324, %select_n3A_325, %select_n3A_326, %select_n3A_327 : vector<16xf32>, vector<16xf32>, vector<16xf32>, vector<16xf32>, vector<16xf32>, vector<16xf32>
        }
        %scan3A_72 = arith.constant 100 : i32
        %sub3A = arith.subf %scan3A_71#3, %scan3A_71#1 : vector<16xf32>
        %sub3A_73 = arith.subf %scan3A_71#4, %scan3A_71#2 : vector<16xf32>
        %mul3A_74 = arith.constant 5.000000e-01 : f32
        %mul3A_75 = vector.broadcast %mul3A_74 : f32 to vector<16xf32>
        %mul3A_76 = arith.mulf %sub3A, %mul3A_75 : vector<16xf32>
        %add3A_77 = arith.addf %scan3A_71#1, %mul3A_76 : vector<16xf32>
        %mul3A_78 = arith.constant 5.000000e-01 : f32
        %mul3A_79 = vector.broadcast %mul3A_78 : f32 to vector<16xf32>
        %mul3A_80 = arith.mulf %sub3A_73, %mul3A_79 : vector<16xf32>
        %add3A_81 = arith.addf %scan3A_71#2, %mul3A_80 : vector<16xf32>
        %sub3A_82 = arith.subf %add3A_77, %get3A_57 : vector<16xf32>
        %div3A = arith.divf %sub3A_82, %get3A_47 : vector<16xf32>
        %div3A_83 = arith.constant 1.000000e-01 : f32
        %div3A_84 = vector.broadcast %div3A_83 : f32 to vector<16xf32>
        %div3A_85 = arith.divf %div3A, %div3A_84 : vector<16xf32>
        %sub3A_86 = arith.subf %add3A_81, %get3A_62 : vector<16xf32>
        %div3A_87 = arith.divf %sub3A_86, %get3A_52 : vector<16xf32>
        %div3A_88 = arith.constant 1.000000e-01 : f32
        %div3A_89 = vector.broadcast %div3A_88 : f32 to vector<16xf32>
        %div3A_90 = arith.divf %div3A_87, %div3A_89 : vector<16xf32>
        %div3A_91 = arith.divf %sub3A, %get3A_47 : vector<16xf32>
        %bitcast_convert_type3A = tpu.bitcast %div3A_91 : vector<16xf32> -> vector<16xi32>
        %shift_right_arithmetic3A = arith.constant 23 : i32
        %shift_right_arithmetic3A_92 = vector.broadcast %shift_right_arithmetic3A : i32 to vector<16xi32>
        %shift_right_arithmetic3A_93 = arith.shrsi %bitcast_convert_type3A, %shift_right_arithmetic3A_92 : vector<16xi32>
        %and3A = arith.constant 255 : i32
        %and3A_94 = vector.broadcast %and3A : i32 to vector<16xi32>
        %and3A_95 = arith.andi %shift_right_arithmetic3A_93, %and3A_94 : vector<16xi32>
        %sub3A_96 = arith.constant 127 : i32
        %sub3A_97 = vector.broadcast %sub3A_96 : i32 to vector<16xi32>
        %sub3A_98 = arith.subi %and3A_95, %sub3A_97 : vector<16xi32>
        %and3A_99 = arith.constant 8388607 : i32
        %and3A_100 = vector.broadcast %and3A_99 : i32 to vector<16xi32>
        %and3A_101 = arith.andi %bitcast_convert_type3A, %and3A_100 : vector<16xi32>
        %or3A = arith.constant 1065353216 : i32
        %or3A_102 = vector.broadcast %or3A : i32 to vector<16xi32>
        %or3A_103 = arith.ori %and3A_101, %or3A_102 : vector<16xi32>
        %bitcast_convert_type3A_104 = tpu.bitcast %or3A_103 : vector<16xi32> -> vector<16xf32>
        %sub3A_105 = arith.constant 1.000000e+00 : f32
        %sub3A_106 = vector.broadcast %sub3A_105 : f32 to vector<16xf32>
        %sub3A_107 = arith.subf %bitcast_convert_type3A_104, %sub3A_106 : vector<16xf32>
        %add3A_108 = arith.constant 1.000000e+00 : f32
        %add3A_109 = vector.broadcast %add3A_108 : f32 to vector<16xf32>
        %add3A_110 = arith.addf %bitcast_convert_type3A_104, %add3A_109 : vector<16xf32>
        %div3A_111 = arith.divf %sub3A_107, %add3A_110 : vector<16xf32>
        %mul3A_112 = arith.mulf %div3A_111, %div3A_111 : vector<16xf32>
        %mul3A_113 = arith.constant 0.0909090936 : f32
        %mul3A_114 = vector.broadcast %mul3A_113 : f32 to vector<16xf32>
        %mul3A_115 = arith.mulf %mul3A_114, %mul3A_112 : vector<16xf32>
        %add3A_116 = arith.constant 0.111111112 : f32
        %add3A_117 = vector.broadcast %add3A_116 : f32 to vector<16xf32>
        %add3A_118 = arith.addf %mul3A_115, %add3A_117 : vector<16xf32>
        %mul3A_119 = arith.mulf %add3A_118, %mul3A_112 : vector<16xf32>
        %add3A_120 = arith.constant 0.142857149 : f32
        %add3A_121 = vector.broadcast %add3A_120 : f32 to vector<16xf32>
        %add3A_122 = arith.addf %mul3A_119, %add3A_121 : vector<16xf32>
        %mul3A_123 = arith.mulf %add3A_122, %mul3A_112 : vector<16xf32>
        %add3A_124 = arith.constant 2.000000e-01 : f32
        %add3A_125 = vector.broadcast %add3A_124 : f32 to vector<16xf32>
        %add3A_126 = arith.addf %mul3A_123, %add3A_125 : vector<16xf32>
        %mul3A_127 = arith.mulf %add3A_126, %mul3A_112 : vector<16xf32>
        %add3A_128 = arith.constant 0.333333343 : f32
        %add3A_129 = vector.broadcast %add3A_128 : f32 to vector<16xf32>
        %add3A_130 = arith.addf %mul3A_127, %add3A_129 : vector<16xf32>
        %mul3A_131 = arith.mulf %add3A_130, %mul3A_112 : vector<16xf32>
        %add3A_132 = arith.constant 1.000000e+00 : f32
        %add3A_133 = vector.broadcast %add3A_132 : f32 to vector<16xf32>
        %add3A_134 = arith.addf %mul3A_131, %add3A_133 : vector<16xf32>
        %convert_element_type3A = arith.sitofp %sub3A_98 : vector<16xi32> to vector<16xf32>
        %mul3A_135 = arith.constant 0.693147182 : f32
        %mul3A_136 = vector.broadcast %mul3A_135 : f32 to vector<16xf32>
        %mul3A_137 = arith.mulf %convert_element_type3A, %mul3A_136 : vector<16xf32>
        %mul3A_138 = arith.constant 2.000000e+00 : f32
        %mul3A_139 = vector.broadcast %mul3A_138 : f32 to vector<16xf32>
        %mul3A_140 = arith.mulf %mul3A_139, %div3A_111 : vector<16xf32>
        %mul3A_141 = arith.mulf %mul3A_140, %add3A_134 : vector<16xf32>
        %add3A_142 = arith.addf %mul3A_137, %mul3A_141 : vector<16xf32>
        %div3A_143 = arith.constant 2.000000e-01 : f32
        %div3A_144 = vector.broadcast %div3A_143 : f32 to vector<16xf32>
        %div3A_145 = arith.divf %add3A_142, %div3A_144 : vector<16xf32>
        %div3A_146 = arith.divf %sub3A_73, %get3A_52 : vector<16xf32>
        %bitcast_convert_type3A_147 = tpu.bitcast %div3A_146 : vector<16xf32> -> vector<16xi32>
        %shift_right_arithmetic3A_148 = arith.constant 23 : i32
        %shift_right_arithmetic3A_149 = vector.broadcast %shift_right_arithmetic3A_148 : i32 to vector<16xi32>
        %shift_right_arithmetic3A_150 = arith.shrsi %bitcast_convert_type3A_147, %shift_right_arithmetic3A_149 : vector<16xi32>
        %and3A_151 = arith.constant 255 : i32
        %and3A_152 = vector.broadcast %and3A_151 : i32 to vector<16xi32>
        %and3A_153 = arith.andi %shift_right_arithmetic3A_150, %and3A_152 : vector<16xi32>
        %sub3A_154 = arith.constant 127 : i32
        %sub3A_155 = vector.broadcast %sub3A_154 : i32 to vector<16xi32>
        %sub3A_156 = arith.subi %and3A_153, %sub3A_155 : vector<16xi32>
        %and3A_157 = arith.constant 8388607 : i32
        %and3A_158 = vector.broadcast %and3A_157 : i32 to vector<16xi32>
        %and3A_159 = arith.andi %bitcast_convert_type3A_147, %and3A_158 : vector<16xi32>
        %or3A_160 = arith.constant 1065353216 : i32
        %or3A_161 = vector.broadcast %or3A_160 : i32 to vector<16xi32>
        %or3A_162 = arith.ori %and3A_159, %or3A_161 : vector<16xi32>
        %bitcast_convert_type3A_163 = tpu.bitcast %or3A_162 : vector<16xi32> -> vector<16xf32>
        %sub3A_164 = arith.constant 1.000000e+00 : f32
        %sub3A_165 = vector.broadcast %sub3A_164 : f32 to vector<16xf32>
        %sub3A_166 = arith.subf %bitcast_convert_type3A_163, %sub3A_165 : vector<16xf32>
        %add3A_167 = arith.constant 1.000000e+00 : f32
        %add3A_168 = vector.broadcast %add3A_167 : f32 to vector<16xf32>
        %add3A_169 = arith.addf %bitcast_convert_type3A_163, %add3A_168 : vector<16xf32>
        %div3A_170 = arith.divf %sub3A_166, %add3A_169 : vector<16xf32>
        %mul3A_171 = arith.mulf %div3A_170, %div3A_170 : vector<16xf32>
        %mul3A_172 = arith.constant 0.0909090936 : f32
        %mul3A_173 = vector.broadcast %mul3A_172 : f32 to vector<16xf32>
        %mul3A_174 = arith.mulf %mul3A_173, %mul3A_171 : vector<16xf32>
        %add3A_175 = arith.constant 0.111111112 : f32
        %add3A_176 = vector.broadcast %add3A_175 : f32 to vector<16xf32>
        %add3A_177 = arith.addf %mul3A_174, %add3A_176 : vector<16xf32>
        %mul3A_178 = arith.mulf %add3A_177, %mul3A_171 : vector<16xf32>
        %add3A_179 = arith.constant 0.142857149 : f32
        %add3A_180 = vector.broadcast %add3A_179 : f32 to vector<16xf32>
        %add3A_181 = arith.addf %mul3A_178, %add3A_180 : vector<16xf32>
        %mul3A_182 = arith.mulf %add3A_181, %mul3A_171 : vector<16xf32>
        %add3A_183 = arith.constant 2.000000e-01 : f32
        %add3A_184 = vector.broadcast %add3A_183 : f32 to vector<16xf32>
        %add3A_185 = arith.addf %mul3A_182, %add3A_184 : vector<16xf32>
        %mul3A_186 = arith.mulf %add3A_185, %mul3A_171 : vector<16xf32>
        %add3A_187 = arith.constant 0.333333343 : f32
        %add3A_188 = vector.broadcast %add3A_187 : f32 to vector<16xf32>
        %add3A_189 = arith.addf %mul3A_186, %add3A_188 : vector<16xf32>
        %mul3A_190 = arith.mulf %add3A_189, %mul3A_171 : vector<16xf32>
        %add3A_191 = arith.constant 1.000000e+00 : f32
        %add3A_192 = vector.broadcast %add3A_191 : f32 to vector<16xf32>
        %add3A_193 = arith.addf %mul3A_190, %add3A_192 : vector<16xf32>
        %convert_element_type3A_194 = arith.sitofp %sub3A_156 : vector<16xi32> to vector<16xf32>
        %mul3A_195 = arith.constant 0.693147182 : f32
        %mul3A_196 = vector.broadcast %mul3A_195 : f32 to vector<16xf32>
        %mul3A_197 = arith.mulf %convert_element_type3A_194, %mul3A_196 : vector<16xf32>
        %mul3A_198 = arith.constant 2.000000e+00 : f32
        %mul3A_199 = vector.broadcast %mul3A_198 : f32 to vector<16xf32>
        %mul3A_200 = arith.mulf %mul3A_199, %div3A_170 : vector<16xf32>
        %mul3A_201 = arith.mulf %mul3A_200, %add3A_193 : vector<16xf32>
        %add3A_202 = arith.addf %mul3A_197, %mul3A_201 : vector<16xf32>
        %div3A_203 = arith.constant 2.000000e-01 : f32
        %div3A_204 = vector.broadcast %div3A_203 : f32 to vector<16xf32>
        %div3A_205 = arith.divf %add3A_202, %div3A_204 : vector<16xf32>
        %ge3A = arith.constant 5.000000e-01 : f32
        %ge3A_206 = vector.broadcast %ge3A : f32 to vector<16xf32>
        %ge3A_207 = arith.cmpf oge, %scan3A_71#0, %ge3A_206 : vector<16xf32>
        %ge3A_208 = arith.constant 4.000000e-01 : f32
        %ge3A_209 = vector.broadcast %ge3A_208 : f32 to vector<16xf32>
        %ge3A_210 = arith.cmpf oge, %scan3A_71#0, %ge3A_209 : vector<16xf32>
        %lt3A = arith.constant 5.000000e-01 : f32
        %lt3A_211 = vector.broadcast %lt3A : f32 to vector<16xf32>
        %lt3A_212 = arith.cmpf olt, %scan3A_71#0, %lt3A_211 : vector<16xf32>
        %and3A_213 = arith.andi %ge3A_210, %lt3A_212 : vector<16xi1>
        %jit3A = arith.constant -1.000000e+00 : f32
        %broadcast_in_dim3A_214 = vector.broadcast %jit3A : f32 to vector<16xf32>
        %select_n3A = arith.select %ge3A_207, %scan3A_71#5, %broadcast_in_dim3A_214 : vector<16xi1>, vector<16xf32>
        %jit3A_215 = arith.constant -2.000000e+00 : f32
        %broadcast_in_dim3A_216 = vector.broadcast %jit3A_215 : f32 to vector<16xf32>
        %select_n3A_217 = arith.select %and3A_213, %broadcast_in_dim3A_216, %select_n3A : vector<16xi1>, vector<16xf32>
        %swap3A = arith.constant 0 : i32
        %swap3A_218 = arith.index_cast %swap3A : i32 to index
        %swap3A_219 = arith.index_cast %mul3A_23 : i32 to index
        %swap3A_220 = tpu.vector_load %arg7[%swap3A_218, %swap3A_219] {strides = array<i32>} : memref<8x256xf32, #tpu.memory_space<vmem>>, vector<1x16xf32>,
        %swap3A_221 = vector.shape_cast %swap3A_220 : vector<1x16xf32> to vector<16xf32>
        %swap3A_222 = vector.shape_cast %div3A_85 : vector<16xf32> to vector<1x16xf32>
        tpu.vector_store %arg7[%swap3A_218, %swap3A_219], %swap3A_222 {strides = array<i32>} : memref<8x256xf32, #tpu.memory_space<vmem>>, vector<1x16xf32>,
        %swap3A_223 = arith.constant 1 : i32
        %swap3A_224 = arith.index_cast %swap3A_223 : i32 to index
        %swap3A_225 = arith.index_cast %mul3A_23 : i32 to index
        %swap3A_226 = tpu.vector_load %arg7[%swap3A_224, %swap3A_225] {strides = array<i32>} : memref<8x256xf32, #tpu.memory_space<vmem>>, vector<1x16xf32>,
        %swap3A_227 = vector.shape_cast %swap3A_226 : vector<1x16xf32> to vector<16xf32>
        %swap3A_228 = vector.shape_cast %div3A_90 : vector<16xf32> to vector<1x16xf32>
        tpu.vector_store %arg7[%swap3A_224, %swap3A_225], %swap3A_228 {strides = array<i32>} : memref<8x256xf32, #tpu.memory_space<vmem>>, vector<1x16xf32>,
        %swap3A_229 = arith.constant 2 : i32
        %swap3A_230 = arith.index_cast %swap3A_229 : i32 to index
        %swap3A_231 = arith.index_cast %mul3A_23 : i32 to index
        %swap3A_232 = tpu.vector_load %arg7[%swap3A_230, %swap3A_231] {strides = array<i32>} : memref<8x256xf32, #tpu.memory_space<vmem>>, vector<1x16xf32>,
        %swap3A_233 = vector.shape_cast %swap3A_232 : vector<1x16xf32> to vector<16xf32>
        %swap3A_234 = vector.shape_cast %div3A_145 : vector<16xf32> to vector<1x16xf32>
        tpu.vector_store %arg7[%swap3A_230, %swap3A_231], %swap3A_234 {strides = array<i32>} : memref<8x256xf32, #tpu.memory_space<vmem>>, vector<1x16xf32>,
        %swap3A_235 = arith.constant 3 : i32
        %swap3A_236 = arith.index_cast %swap3A_235 : i32 to index
        %swap3A_237 = arith.index_cast %mul3A_23 : i32 to index
        %swap3A_238 = tpu.vector_load %arg7[%swap3A_236, %swap3A_237] {strides = array<i32>} : memref<8x256xf32, #tpu.memory_space<vmem>>, vector<1x16xf32>,
        %swap3A_239 = vector.shape_cast %swap3A_238 : vector<1x16xf32> to vector<16xf32>
        %swap3A_240 = vector.shape_cast %div3A_205 : vector<16xf32> to vector<1x16xf32>
        tpu.vector_store %arg7[%swap3A_236, %swap3A_237], %swap3A_240 {strides = array<i32>} : memref<8x256xf32, #tpu.memory_space<vmem>>, vector<1x16xf32>,
        %swap3A_241 = arith.constant 4 : i32
        %swap3A_242 = arith.index_cast %swap3A_241 : i32 to index
        %swap3A_243 = arith.index_cast %mul3A_23 : i32 to index
        %swap3A_244 = tpu.vector_load %arg7[%swap3A_242, %swap3A_243] {strides = array<i32>} : memref<8x256xf32, #tpu.memory_space<vmem>>, vector<1x16xf32>,
        %swap3A_245 = vector.shape_cast %swap3A_244 : vector<1x16xf32> to vector<16xf32>
        %swap3A_246 = vector.shape_cast %select_n3A_217 : vector<16xf32> to vector<1x16xf32>
        tpu.vector_store %arg7[%swap3A_242, %swap3A_243], %swap3A_246 {strides = array<i32>} : memref<8x256xf32, #tpu.memory_space<vmem>>, vector<1x16xf32>,
        %swap3A_247 = arith.constant 5 : i32
        %swap3A_248 = arith.index_cast %swap3A_247 : i32 to index
        %swap3A_249 = arith.index_cast %mul3A_23 : i32 to index
        %swap3A_250 = tpu.vector_load %arg7[%swap3A_248, %swap3A_249] {strides = array<i32>} : memref<8x256xf32, #tpu.memory_space<vmem>>, vector<1x16xf32>,
        %swap3A_251 = vector.shape_cast %swap3A_250 : vector<1x16xf32> to vector<16xf32>
        %swap3A_252 = vector.shape_cast %select_n3A_217 : vector<16xf32> to vector<1x16xf32>
        tpu.vector_store %arg7[%swap3A_248, %swap3A_249], %swap3A_252 {strides = array<i32>} : memref<8x256xf32, #tpu.memory_space<vmem>>, vector<1x16xf32>,
        %swap3A_253 = arith.constant 6 : i32
        %swap3A_254 = arith.index_cast %swap3A_253 : i32 to index
        %swap3A_255 = arith.index_cast %mul3A_23 : i32 to index
        %swap3A_256 = tpu.vector_load %arg7[%swap3A_254, %swap3A_255] {strides = array<i32>} : memref<8x256xf32, #tpu.memory_space<vmem>>, vector<1x16xf32>,
        %swap3A_257 = vector.shape_cast %swap3A_256 : vector<1x16xf32> to vector<16xf32>
        %swap3A_258 = vector.shape_cast %select_n3A_217 : vector<16xf32> to vector<1x16xf32>
        tpu.vector_store %arg7[%swap3A_254, %swap3A_255], %swap3A_258 {strides = array<i32>} : memref<8x256xf32, #tpu.memory_space<vmem>>, vector<1x16xf32>,
        %swap3A_259 = arith.constant 7 : i32
        %swap3A_260 = arith.index_cast %swap3A_259 : i32 to index
        %swap3A_261 = arith.index_cast %mul3A_23 : i32 to index
        %swap3A_262 = tpu.vector_load %arg7[%swap3A_260, %swap3A_261] {strides = array<i32>} : memref<8x256xf32, #tpu.memory_space<vmem>>, vector<1x16xf32>,
        %swap3A_263 = vector.shape_cast %swap3A_262 : vector<1x16xf32> to vector<16xf32>
        %swap3A_264 = vector.shape_cast %select_n3A_217 : vector<16xf32> to vector<1x16xf32>
        tpu.vector_store %arg7[%swap3A_260, %swap3A_261], %swap3A_264 {strides = array<i32>} : memref<8x256xf32, #tpu.memory_space<vmem>>, vector<1x16xf32>,
      }
      %scan3A_16 = arith.constant 16 : i32
      "tpu.region"() ({
        %run_scoped3A = tpu.sem_alloc : memref<!tpu.dma_semaphore, #tpu.memory_space<semaphore_mem>>
        %dma_start3A = arith.constant 0 : i32
        %dma_start3A_17 = tpu.memref_slice %arg4[%add3A_11, %dma_start3A, %mul3A_2] : memref<8x8x8192xf32, #tpu.memory_space<hbm>> -> memref<1x8x256xf32, #tpu.memory_space<hbm>>
        %dma_start3A_18 = tpu.memref_squeeze %dma_start3A_17 : memref<1x8x256xf32, #tpu.memory_space<hbm>> -> memref<8x256xf32, #tpu.memory_space<hbm>>
        %dma_start3A_19 = arith.constant 0 : i32
        %dma_start3A_20 = tpu.memref_slice %arg4[%add3A_11, %dma_start3A_19, %mul3A_2] : memref<8x8x8192xf32, #tpu.memory_space<hbm>> -> memref<1x8x256xf32, #tpu.memory_space<hbm>>
        %dma_start3A_21 = tpu.memref_squeeze %dma_start3A_20 : memref<1x8x256xf32, #tpu.memory_space<hbm>> -> memref<8x256xf32, #tpu.memory_space<hbm>>
        tpu.enqueue_dma source(%arg7 : memref<8x256xf32, #tpu.memory_space<vmem>>) target(%dma_start3A_21 : memref<8x256xf32, #tpu.memory_space<hbm>>) target_semaphore(%run_scoped3A : memref<!tpu.dma_semaphore, #tpu.memory_space<semaphore_mem>>)
        %dma_wait3A = arith.constant 0 : i32
        %dma_wait3A_22 = tpu.memref_slice %arg4[%add3A_11, %dma_wait3A, %mul3A_2] : memref<8x8x8192xf32, #tpu.memory_space<hbm>> -> memref<1x8x256xf32, #tpu.memory_space<hbm>>
        %dma_wait3A_23 = tpu.memref_squeeze %dma_wait3A_22 : memref<1x8x256xf32, #tpu.memory_space<hbm>> -> memref<8x256xf32, #tpu.memory_space<hbm>>
        %dma_wait3A_24 = arith.constant 0 : i32
        %dma_wait3A_25 = tpu.memref_slice %arg4[%add3A_11, %dma_wait3A_24, %mul3A_2] : memref<8x8x8192xf32, #tpu.memory_space<hbm>> -> memref<1x8x256xf32, #tpu.memory_space<hbm>>
        %dma_wait3A_26 = tpu.memref_squeeze %dma_wait3A_25 : memref<1x8x256xf32, #tpu.memory_space<hbm>> -> memref<8x256xf32, #tpu.memory_space<hbm>>
        tpu.wait_dma2 semaphore(%run_scoped3A : memref<!tpu.dma_semaphore, #tpu.memory_space<semaphore_mem>>) src(%arg7 : memref<8x256xf32, #tpu.memory_space<vmem>>) dst(%dma_wait3A_26 : memref<8x256xf32, #tpu.memory_space<hbm>>)
        tpu.yield
      }) : () -> ()
    }
    %scan3A_6 = arith.constant 8 : i32
    return
  }
}

module attributes {stable_mosaic.version = 14 : i64} {
  func.func @_encode_kernel(%arg0: i32, %arg1: i32, %arg2: memref<8x2048xf32, #tpu.memory_space<vmem>>, %arg3: memref<1x104x8xf32, #tpu.memory_space<vmem>>, %arg4: memref<1x8x104xf32, #tpu.memory_space<vmem>>, %arg5: memref<1x8x2048xf32, #tpu.memory_space<vmem>>) attributes {dimension_semantics = [#tpu.dimension_semantics<arbitrary>, #tpu.dimension_semantics<arbitrary>], iteration_bounds = array<i64: 20, 8>, scalar_prefetch = 0 : i64, scratch_operands = 0 : i64, tpu.core_type = #tpu.core_type<tc>, window_params = [{transform_indices = @transform_0, window_bounds = array<i64: 8, 2048>}, {transform_indices = @transform_1, window_bounds = array<i64: 1, 104, 8>}, {transform_indices = @transform_2, window_bounds = array<i64: 1, 8, 104>}, {transform_indices = @transform_3, window_bounds = array<i64: 1, 8, 2048>}]} {
    %get3A = arith.constant 0 : index
    %get3A_0 = arith.constant 0 : index
    %get3A_1 = vector.load %arg2[%get3A, %get3A_0] : memref<8x2048xf32, #tpu.memory_space<vmem>>, vector<8x2048xf32>
    %slice3A = vector.extract_strided_slice %get3A_1 {offsets = [0, 0], sizes = [1, 2048], strides = [1, 1]} : vector<8x2048xf32> to vector<1x2048xf32>
    %slice3A_2 = vector.extract_strided_slice %get3A_1 {offsets = [1, 0], sizes = [1, 2048], strides = [1, 1]} : vector<8x2048xf32> to vector<1x2048xf32>
    %slice3A_3 = vector.extract_strided_slice %get3A_1 {offsets = [2, 0], sizes = [1, 2048], strides = [1, 1]} : vector<8x2048xf32> to vector<1x2048xf32>
    %slice3A_4 = vector.extract_strided_slice %get3A_1 {offsets = [3, 0], sizes = [1, 2048], strides = [1, 1]} : vector<8x2048xf32> to vector<1x2048xf32>
    %slice3A_5 = vector.extract_strided_slice %get3A_1 {offsets = [4, 0], sizes = [1, 2048], strides = [1, 1]} : vector<8x2048xf32> to vector<1x2048xf32>
    %slice3A_6 = vector.extract_strided_slice %get3A_1 {offsets = [5, 0], sizes = [1, 2048], strides = [1, 1]} : vector<8x2048xf32> to vector<1x2048xf32>
    %slice3A_7 = vector.extract_strided_slice %get3A_1 {offsets = [6, 0], sizes = [1, 2048], strides = [1, 1]} : vector<8x2048xf32> to vector<1x2048xf32>
    %slice3A_8 = vector.extract_strided_slice %get3A_1 {offsets = [7, 0], sizes = [1, 2048], strides = [1, 1]} : vector<8x2048xf32> to vector<1x2048xf32>
    %get3A_9 = arith.constant 0 : index
    %get3A_10 = arith.constant 0 : index
    %get3A_11 = arith.constant 0 : index
    %get3A_12 = vector.load %arg3[%get3A_9, %get3A_10, %get3A_11] : memref<1x104x8xf32, #tpu.memory_space<vmem>>, vector<1x104x8xf32>
    %get3A_13 = vector.shape_cast %get3A_12 : vector<1x104x8xf32> to vector<104x8xf32>
    %slice3A_14 = vector.extract_strided_slice %get3A_13 {offsets = [0, 0], sizes = [104, 1], strides = [1, 1]} : vector<104x8xf32> to vector<104x1xf32>
    %slice3A_15 = vector.extract_strided_slice %get3A_13 {offsets = [0, 1], sizes = [104, 1], strides = [1, 1]} : vector<104x8xf32> to vector<104x1xf32>
    %slice3A_16 = vector.extract_strided_slice %get3A_13 {offsets = [0, 2], sizes = [104, 1], strides = [1, 1]} : vector<104x8xf32> to vector<104x1xf32>
    %slice3A_17 = vector.extract_strided_slice %get3A_13 {offsets = [0, 3], sizes = [104, 1], strides = [1, 1]} : vector<104x8xf32> to vector<104x1xf32>
    %slice3A_18 = vector.extract_strided_slice %get3A_13 {offsets = [0, 4], sizes = [104, 1], strides = [1, 1]} : vector<104x8xf32> to vector<104x1xf32>
    %min3A = vector.broadcast %slice3A_3 : vector<1x2048xf32> to vector<104x2048xf32>
    %min3A_19 = vector.broadcast %slice3A_16 : vector<104x1xf32> to vector<104x2048xf32>
    %min3A_20 = arith.minimumf %min3A, %min3A_19 : vector<104x2048xf32>
    %max3A = vector.broadcast %slice3A : vector<1x2048xf32> to vector<104x2048xf32>
    %max3A_21 = vector.broadcast %slice3A_14 : vector<104x1xf32> to vector<104x2048xf32>
    %max3A_22 = arith.maximumf %max3A, %max3A_21 : vector<104x2048xf32>
    %sub3A = arith.subf %min3A_20, %max3A_22 : vector<104x2048xf32>
    %max3A_23 = arith.constant 0.000000e+00 : f32
    %max3A_24 = vector.broadcast %max3A_23 : f32 to vector<104x2048xf32>
    %max3A_25 = arith.maximumf %sub3A, %max3A_24 : vector<104x2048xf32>
    %min3A_26 = vector.broadcast %slice3A_4 : vector<1x2048xf32> to vector<104x2048xf32>
    %min3A_27 = vector.broadcast %slice3A_17 : vector<104x1xf32> to vector<104x2048xf32>
    %min3A_28 = arith.minimumf %min3A_26, %min3A_27 : vector<104x2048xf32>
    %max3A_29 = vector.broadcast %slice3A_2 : vector<1x2048xf32> to vector<104x2048xf32>
    %max3A_30 = vector.broadcast %slice3A_15 : vector<104x1xf32> to vector<104x2048xf32>
    %max3A_31 = arith.maximumf %max3A_29, %max3A_30 : vector<104x2048xf32>
    %sub3A_32 = arith.subf %min3A_28, %max3A_31 : vector<104x2048xf32>
    %max3A_33 = arith.constant 0.000000e+00 : f32
    %max3A_34 = vector.broadcast %max3A_33 : f32 to vector<104x2048xf32>
    %max3A_35 = arith.maximumf %sub3A_32, %max3A_34 : vector<104x2048xf32>
    %mul3A = arith.mulf %max3A_25, %max3A_35 : vector<104x2048xf32>
    %mul3A_36 = arith.mulf %slice3A_5, %slice3A_6 : vector<1x2048xf32>
    %add3A = vector.broadcast %mul3A_36 : vector<1x2048xf32> to vector<104x2048xf32>
    %add3A_37 = vector.broadcast %slice3A_18 : vector<104x1xf32> to vector<104x2048xf32>
    %add3A_38 = arith.addf %add3A, %add3A_37 : vector<104x2048xf32>
    %sub3A_39 = arith.subf %add3A_38, %mul3A : vector<104x2048xf32>
    %div3A = arith.divf %mul3A, %sub3A_39 : vector<104x2048xf32>
    %reduce_max3A = arith.constant dense<0xFF800000> : vector<2048xf32>
    %reduce_max3A_40 = vector.multi_reduction <maximumf>, %div3A, %reduce_max3A [0] : vector<104x2048xf32> to vector<2048xf32>
    %broadcast_in_dim3A = vector.shape_cast %reduce_max3A_40 : vector<2048xf32> to vector<1x2048xf32>
    %iota3A = tpu.iota {dimensions = array<i32: 0>} : vector<104x2048xi32>
    %eq3A = vector.broadcast %broadcast_in_dim3A : vector<1x2048xf32> to vector<104x2048xf32>
    %eq3A_41 = arith.cmpf oeq, %div3A, %eq3A : vector<104x2048xf32>
    %jit3A = arith.constant 104 : i32
    %broadcast_in_dim3A_42 = vector.broadcast %jit3A : i32 to vector<104x2048xi32>
    %select_n3A = arith.select %eq3A_41, %iota3A, %broadcast_in_dim3A_42 : vector<104x2048xi1>, vector<104x2048xi32>
    %reduce_min3A = arith.constant dense<2147483647> : vector<2048xi32>
    %reduce_min3A_43 = vector.multi_reduction <minsi>, %select_n3A, %reduce_min3A [0] : vector<104x2048xi32> to vector<2048xi32>
    %broadcast_in_dim3A_44 = vector.shape_cast %reduce_min3A_43 : vector<2048xi32> to vector<1x2048xi32>
    %eq3A_45 = vector.broadcast %broadcast_in_dim3A_44 : vector<1x2048xi32> to vector<104x2048xi32>
    %eq3A_46 = arith.cmpi eq, %iota3A, %eq3A_45 : vector<104x2048xi32>
    %convert_element_type3A = arith.extui %eq3A_46 : vector<104x2048xi1> to vector<104x2048xi32>
    %convert_element_type3A_47 = arith.sitofp %convert_element_type3A : vector<104x2048xi32> to vector<104x2048xf32>
    %convert_element_type3A_48 = arith.truncf %convert_element_type3A_47 : vector<104x2048xf32> to vector<104x2048xbf16>
    %get3A_49 = arith.constant 0 : index
    %get3A_50 = arith.constant 0 : index
    %get3A_51 = arith.constant 0 : index
    %get3A_52 = vector.load %arg4[%get3A_49, %get3A_50, %get3A_51] : memref<1x8x104xf32, #tpu.memory_space<vmem>>, vector<1x8x104xf32>
    %get3A_53 = vector.shape_cast %get3A_52 : vector<1x8x104xf32> to vector<8x104xf32>
    %bitcast_convert_type3A = tpu.bitcast %get3A_53 : vector<8x104xf32> -> vector<8x104xi32>
    %and3A = arith.constant -65536 : i32
    %and3A_54 = vector.broadcast %and3A : i32 to vector<8x104xi32>
    %and3A_55 = arith.andi %bitcast_convert_type3A, %and3A_54 : vector<8x104xi32>
    %bitcast_convert_type3A_56 = tpu.bitcast %and3A_55 : vector<8x104xi32> -> vector<8x104xf32>
    %sub3A_57 = arith.subf %get3A_53, %bitcast_convert_type3A_56 : vector<8x104xf32>
    %bitcast_convert_type3A_58 = tpu.bitcast %sub3A_57 : vector<8x104xf32> -> vector<8x104xi32>
    %and3A_59 = arith.constant -65536 : i32
    %and3A_60 = vector.broadcast %and3A_59 : i32 to vector<8x104xi32>
    %and3A_61 = arith.andi %bitcast_convert_type3A_58, %and3A_60 : vector<8x104xi32>
    %bitcast_convert_type3A_62 = tpu.bitcast %and3A_61 : vector<8x104xi32> -> vector<8x104xf32>
    %sub3A_63 = arith.subf %sub3A_57, %bitcast_convert_type3A_62 : vector<8x104xf32>
    %convert_element_type3A_64 = arith.truncf %bitcast_convert_type3A_56 : vector<8x104xf32> to vector<8x104xbf16>
    %convert_element_type3A_65 = arith.truncf %bitcast_convert_type3A_62 : vector<8x104xf32> to vector<8x104xbf16>
    %convert_element_type3A_66 = arith.truncf %sub3A_63 : vector<8x104xf32> to vector<8x104xbf16>
    %concatenate3A = tpu.concatenate %convert_element_type3A_64, %convert_element_type3A_65, %convert_element_type3A_66 in 0 : vector<8x104xbf16>, vector<8x104xbf16>, vector<8x104xbf16> -> vector<24x104xbf16>
    %dot_general3A = arith.constant dense<0.000000e+00> : vector<24x2048xf32>
    %dot_general3A_67 = tpu.matmul %concatenate3A, %convert_element_type3A_48, %dot_general3A {dimension_numbers = #tpu.dot_dimension_numbers<[1], [0], [0], [1], [0, 0, 1, 1], [], []>, transpose_lhs_hint = false} : vector<24x104xbf16>, vector<104x2048xbf16>, vector<24x2048xf32> -> vector<24x2048xf32>
    %slice3A_68 = vector.extract_strided_slice %dot_general3A_67 {offsets = [0, 0], sizes = [8, 2048], strides = [1, 1]} : vector<24x2048xf32> to vector<8x2048xf32>
    %slice3A_69 = vector.extract_strided_slice %dot_general3A_67 {offsets = [8, 0], sizes = [8, 2048], strides = [1, 1]} : vector<24x2048xf32> to vector<8x2048xf32>
    %add3A_70 = arith.addf %slice3A_68, %slice3A_69 : vector<8x2048xf32>
    %slice3A_71 = vector.extract_strided_slice %dot_general3A_67 {offsets = [16, 0], sizes = [8, 2048], strides = [1, 1]} : vector<24x2048xf32> to vector<8x2048xf32>
    %add3A_72 = arith.addf %add3A_70, %slice3A_71 : vector<8x2048xf32>
    %slice3A_73 = vector.extract_strided_slice %add3A_72 {offsets = [0, 0], sizes = [1, 2048], strides = [1, 1]} : vector<8x2048xf32> to vector<1x2048xf32>
    %slice3A_74 = vector.extract_strided_slice %add3A_72 {offsets = [1, 0], sizes = [1, 2048], strides = [1, 1]} : vector<8x2048xf32> to vector<1x2048xf32>
    %slice3A_75 = vector.extract_strided_slice %add3A_72 {offsets = [2, 0], sizes = [1, 2048], strides = [1, 1]} : vector<8x2048xf32> to vector<1x2048xf32>
    %slice3A_76 = vector.extract_strided_slice %add3A_72 {offsets = [3, 0], sizes = [1, 2048], strides = [1, 1]} : vector<8x2048xf32> to vector<1x2048xf32>
    %slice3A_77 = vector.extract_strided_slice %add3A_72 {offsets = [5, 0], sizes = [1, 2048], strides = [1, 1]} : vector<8x2048xf32> to vector<1x2048xf32>
    %sub3A_78 = arith.subf %slice3A_75, %slice3A_73 : vector<1x2048xf32>
    %sub3A_79 = arith.subf %slice3A_76, %slice3A_74 : vector<1x2048xf32>
    %mul3A_80 = arith.constant 5.000000e-01 : f32
    %mul3A_81 = vector.broadcast %mul3A_80 : f32 to vector<1x2048xf32>
    %mul3A_82 = arith.mulf %sub3A_78, %mul3A_81 : vector<1x2048xf32>
    %add3A_83 = arith.addf %slice3A_73, %mul3A_82 : vector<1x2048xf32>
    %mul3A_84 = arith.constant 5.000000e-01 : f32
    %mul3A_85 = vector.broadcast %mul3A_84 : f32 to vector<1x2048xf32>
    %mul3A_86 = arith.mulf %sub3A_79, %mul3A_85 : vector<1x2048xf32>
    %add3A_87 = arith.addf %slice3A_74, %mul3A_86 : vector<1x2048xf32>
    %sub3A_88 = arith.subf %add3A_83, %slice3A_7 : vector<1x2048xf32>
    %div3A_89 = arith.divf %sub3A_88, %slice3A_5 : vector<1x2048xf32>
    %div3A_90 = arith.constant 1.000000e-01 : f32
    %div3A_91 = vector.broadcast %div3A_90 : f32 to vector<1x2048xf32>
    %div3A_92 = arith.divf %div3A_89, %div3A_91 : vector<1x2048xf32>
    %sub3A_93 = arith.subf %add3A_87, %slice3A_8 : vector<1x2048xf32>
    %div3A_94 = arith.divf %sub3A_93, %slice3A_6 : vector<1x2048xf32>
    %div3A_95 = arith.constant 1.000000e-01 : f32
    %div3A_96 = vector.broadcast %div3A_95 : f32 to vector<1x2048xf32>
    %div3A_97 = arith.divf %div3A_94, %div3A_96 : vector<1x2048xf32>
    %div3A_98 = arith.divf %sub3A_78, %slice3A_5 : vector<1x2048xf32>
    %log3A = math.log %div3A_98 : vector<1x2048xf32>
    %div3A_99 = arith.constant 2.000000e-01 : f32
    %div3A_100 = vector.broadcast %div3A_99 : f32 to vector<1x2048xf32>
    %div3A_101 = arith.divf %log3A, %div3A_100 : vector<1x2048xf32>
    %div3A_102 = arith.divf %sub3A_79, %slice3A_6 : vector<1x2048xf32>
    %log3A_103 = math.log %div3A_102 : vector<1x2048xf32>
    %div3A_104 = arith.constant 2.000000e-01 : f32
    %div3A_105 = vector.broadcast %div3A_104 : f32 to vector<1x2048xf32>
    %div3A_106 = arith.divf %log3A_103, %div3A_105 : vector<1x2048xf32>
    %ge3A = arith.constant 5.000000e-01 : f32
    %ge3A_107 = vector.broadcast %ge3A : f32 to vector<1x2048xf32>
    %ge3A_108 = arith.cmpf oge, %broadcast_in_dim3A, %ge3A_107 : vector<1x2048xf32>
    %ge3A_109 = arith.constant 4.000000e-01 : f32
    %ge3A_110 = vector.broadcast %ge3A_109 : f32 to vector<1x2048xf32>
    %ge3A_111 = arith.cmpf oge, %broadcast_in_dim3A, %ge3A_110 : vector<1x2048xf32>
    %lt3A = arith.constant 5.000000e-01 : f32
    %lt3A_112 = vector.broadcast %lt3A : f32 to vector<1x2048xf32>
    %lt3A_113 = arith.cmpf olt, %broadcast_in_dim3A, %lt3A_112 : vector<1x2048xf32>
    %and3A_114 = arith.andi %ge3A_111, %lt3A_113 : vector<1x2048xi1>
    %jit3A_115 = arith.constant -1.000000e+00 : f32
    %broadcast_in_dim3A_116 = vector.broadcast %jit3A_115 : f32 to vector<1x2048xf32>
    %select_n3A_117 = arith.select %ge3A_108, %slice3A_77, %broadcast_in_dim3A_116 : vector<1x2048xi1>, vector<1x2048xf32>
    %jit3A_118 = arith.constant -2.000000e+00 : f32
    %broadcast_in_dim3A_119 = vector.broadcast %jit3A_118 : f32 to vector<1x2048xf32>
    %select_n3A_120 = arith.select %and3A_114, %broadcast_in_dim3A_119, %select_n3A_117 : vector<1x2048xi1>, vector<1x2048xf32>
    %concatenate3A_121 = tpu.concatenate %div3A_92, %div3A_97, %div3A_101, %div3A_106, %select_n3A_120, %select_n3A_120, %select_n3A_120, %select_n3A_120 in 0 : vector<1x2048xf32>, vector<1x2048xf32>, vector<1x2048xf32>, vector<1x2048xf32>, vector<1x2048xf32>, vector<1x2048xf32>, vector<1x2048xf32>, vector<1x2048xf32> -> vector<8x2048xf32>
    %ne3A = arith.cmpf one, %concatenate3A_121, %concatenate3A_121 : vector<8x2048xf32>
    %jit3A_122 = arith.constant -2.000000e+00 : f32
    %broadcast_in_dim3A_123 = vector.broadcast %jit3A_122 : f32 to vector<8x2048xf32>
    %select_n3A_124 = arith.select %ne3A, %broadcast_in_dim3A_123, %concatenate3A_121 : vector<8x2048xi1>, vector<8x2048xf32>
    %swap3A = arith.constant 0 : index
    %swap3A_125 = arith.constant 0 : index
    %swap3A_126 = arith.constant 0 : index
    %swap3A_127 = vector.load %arg5[%swap3A, %swap3A_125, %swap3A_126] : memref<1x8x2048xf32, #tpu.memory_space<vmem>>, vector<1x8x2048xf32>
    %swap3A_128 = vector.shape_cast %swap3A_127 : vector<1x8x2048xf32> to vector<8x2048xf32>
    %swap3A_129 = vector.shape_cast %select_n3A_124 : vector<8x2048xf32> to vector<1x8x2048xf32>
    tpu.vector_store %arg5[%swap3A, %swap3A_125, %swap3A_126], %swap3A_129 {strides = array<i32>} : memref<1x8x2048xf32, #tpu.memory_space<vmem>>, vector<1x8x2048xf32>,
    return
  }
  func.func @transform_0(%arg0: i32, %arg1: i32) -> (i32, i32) {
    %c0_i32 = arith.constant 0 : i32
    %c0_i32_0 = arith.constant 0 : i32
    return %c0_i32, %arg0 : i32, i32
  }
  func.func @transform_1(%arg0: i32, %arg1: i32) -> (i32, i32, i32) {
    %c0_i32 = arith.constant 0 : i32
    %c0_i32_0 = arith.constant 0 : i32
    %c0_i32_1 = arith.constant 0 : i32
    return %arg1, %c0_i32, %c0_i32_0 : i32, i32, i32
  }
  func.func @transform_2(%arg0: i32, %arg1: i32) -> (i32, i32, i32) {
    %c0_i32 = arith.constant 0 : i32
    %c0_i32_0 = arith.constant 0 : i32
    %c0_i32_1 = arith.constant 0 : i32
    return %arg1, %c0_i32, %c0_i32_0 : i32, i32, i32
  }
  func.func @transform_3(%arg0: i32, %arg1: i32) -> (i32, i32, i32) {
    %c0_i32 = arith.constant 0 : i32
    %c0_i32_0 = arith.constant 0 : i32
    return %arg1, %c0_i32, %arg0 : i32, i32, i32
  }
}

</mosaic_0001>

<sc_bundles>
// kernel: kernel.4.cloned.1.call-start
scs
__scs_entry_jumppad:
0x0: {  	(pc) =	sbr.rel $0x88, $3  }
0x1: {  	(tag) =	ssettag $0x0;
	lr =	simm.s32 $0x1  }
0x2: {  	[smem:$0x3F9E] =	sst lr;
	_ =	strace $0xD0000000  }
0x3: {  	_ = 	snop  }
0x4: {  	_ = 	snop  }
0x5: {  	_ = 	snop  }
0x6: {  	_ = 	snop  }
0x7: {  	_ = 	snop  }
__scs_overlays_trampoline_lowered:
0x8: {  	[smem:$0x3FAD] =	sst s0  }
0x9: {  	[smem:$0x3FAE] =	sst s1  }
0xa: {  	[smem:$0x3FAF] =	sst s2  }
0xb: {  	[smem:$0x3FB0] =	sst s3  }
0xc: {  	[smem:$0x3FB1] =	sst s4  }
0xd: {  	[smem:$0x3FB2] =	sst s5  }
0xe: {  	[smem:$0x3FB3] =	sst s6  }
0xf: {  	[smem:$0x3FB4] =	sst s7  }
0x10: {  	[smem:$0x3FB5] =	sst s8  }
0x11: {  	[smem:$0x3FB6] =	sst s9;
	s0 =	simm.s32 @!p0 $0x0  }
0x12: {  	s1 =	sld [smem:$0x3F9C];
	s0 =	simm.s32 @p0 $0x1  }
0x13: {  	[smem:$0x3FB7] =	sst s0;
	s0 =	simm.s32 @!p1 $0x0  }
0x14: {  	s2 =	sld [smem:$0x3F9B];
	s0 =	simm.s32 @p1 $0x1  }
0x15: {  	[smem:$0x3FB8] =	sst s0;
	s0 =	simm.s32 @!p2 $0x0  }
0x16: {  	s3 =	sld [smem:$0x3FDB];
	s0 =	simm.s32 @p2 $0x1  }
0x17: {  	s4 =	simm.s32 $0x1BF5;
	[smem:$0x3FBA] =	sst s0  }
0x18: {  	s0 =	sld [smem:$0x3F9D];
	_ =	swait.ge [sflag:s4], $0x0  }
0x19: {  	s7 =	sld [smem:$0x3F9E]  }
0x1a: {  	s8 =	sadd.s32 $0xFFFFE003, lr  }
0x1b: {  	s9 =	sadd.s32 $0xFFFFFEF7, lr;
	s5 =	simm.s32 $0xFFFFFFFF;
	p2 =	slt.u32 s8, $0xFFFFF086  }
0x1c: {  	p1 =	slt.u32 s9, $0xF7A;
	s5 =	simm.s32 @!p2 $0x0  }
0x1d: {  	s5 =	simm.s32 @p1 $0x1;
	p0 =	seq.s32 s7, s2  }
0x1e: {  	s7 =	smul.u32 @!p0 $0xF7A, s2;
	p2 =	seq.s32 @!p0 s5, $0x0  }
0x1f: {  	s9 =	smul.u32 $0xF7A, s1;
	s8 =	simm.s32 @!p0 $0x1BF5;
	p2 =	por !p2, p0  }
0x20: {  	[sflag:s8] =	ssyncset.s32 @!p0 $0xFFFFF086;
	s6 =	sadd.s32 @!p0 s3, s7;
	s7 =	simm.s32 @!p0 $0x108  }
0x21: {  	s3 =	sadd.s32 s3, s9;
	s6 =	sadd.s32 @!p0 $0x88, s6;
	s7 =	simm.s32 @p2 $0x1082  }
0x22: {  	[simem:s7], [sflag:s8] =	dma.local @!p0 [hbm:s6], $0xF7A  }
0x23: {  	s9 =	sor.u32 $0xD0000000, s2;
	s6 =	simm.s32 $0x108;
	_ =	swait.ge @!p0 [sflag:s8], $0x0  }
0x24: {  	s3 =	sadd.s32 $0x88, s3;
	s6 =	simm.s32 @!p1 $0x1082;
	[sflag:s4] =	ssyncset.s32 $0xFFFFF086  }
0x25: {  	[simem:s6], [sflag:s4] =	dma.local [hbm:s3], $0xF7A  }
0x26: {  	[smem:$0x3F9E] =	sst s1;
	(tag) =	ssettag s2;
	_ =	strace s9  }
0x27: {  	s1 =	sld [smem:$0x3FAE]  }
0x28: {  	s2 =	sld [smem:$0x3FAF]  }
0x29: {  	s4 =	sld [smem:$0x3FB1]  }
0x2a: {  	p0 =	seq.s32 s5, $0x0;
	s5 =	sld [smem:$0x3FB2]  }
0x2b: {  	s6 =	sld [smem:$0x3FB3]  }
0x2c: {  	s7 =	sld [smem:$0x3FB4]  }
0x2d: {  	s3 =	simm.s32 $0x108;
	s8 =	sld [smem:$0x3FB5]  }
0x2e: {  	s3 =	simm.s32 @!p0 $0x1082;
	s9 =	sld [smem:$0x3FB6]  }
0x2f: {  	lr =	sadd.s32 s0, s3;
	s0 =	sld [smem:$0x3FAD]  }
0x30: {  	s3 =	sld [smem:$0x3FB0]  }
0x31: {  	[smem:$0x3FB9] =	sst s10  }
0x32: {  	s10 =	sld [smem:$0x3FB7];
	_ =	sdelay $0x3  }
0x33: {  	p0 =	seq.s32 s10, $0x1;
	s10 =	sld [smem:$0x3FB9];
	_ =	sdelay $0x3  }
0x34: {  	[smem:$0x3FB9] =	sst s10  }
0x35: {  	s10 =	sld [smem:$0x3FB8];
	_ =	sdelay $0x3  }
0x36: {  	p1 =	seq.s32 s10, $0x1;
	s10 =	sld [smem:$0x3FB9];
	_ =	sdelay $0x3  }
0x37: {  	[smem:$0x3FB9] =	sst s10  }
0x38: {  	s10 =	sld [smem:$0x3FBA]  }
0x39: {  	_ = 	snop;
	(pc) =	sbr.ind lr, $3  }
0x3a: {  	_ = 	snop  }
0x3b: {  	_ = 	snop  }
0x3c: {  	p2 =	seq.s32 s10, $0x1;
	s10 =	sld [smem:$0x3FB9]  }
0x3d: {  	_ =	shalt  }
0x3e: {  	_ =	shalt  }
0x3f: {  	_ =	shalt  }
0x40: {  	_ =	shalt  }
0x41: {  	_ =	shalt  }
0x42: {  	_ =	shalt  }
0x43: {  	_ =	shalt  }
0x44: {  	_ =	shalt  }
0x45: {  	_ =	shalt  }
0x46: {  	_ =	shalt  }
0x47: {  	_ =	shalt  }
0x48: {  	_ =	shalt  }
0x49: {  	_ =	shalt  }
0x4a: {  	_ =	shalt  }
0x4b: {  	_ =	shalt  }
0x4c: {  	_ =	shalt  }
0x4d: {  	_ =	shalt  }
0x4e: {  	_ =	shalt  }
0x4f: {  	_ =	shalt  }
0x50: {  	_ =	shalt  }
0x51: {  	_ =	shalt  }
0x52: {  	_ =	shalt  }
0x53: {  	_ =	shalt  }
0x54: {  	_ =	shalt  }
0x55: {  	_ =	shalt  }
0x56: {  	_ =	shalt  }
0x57: {  	_ =	shalt  }
0x58: {  	_ =	shalt  }
0x59: {  	_ =	shalt  }
0x5a: {  	_ =	shalt  }
0x5b: {  	_ =	shalt  }
0x5c: {  	_ =	shalt  }
0x5d: {  	_ =	shalt  }
0x5e: {  	_ =	shalt  }
0x5f: {  	_ =	shalt  }
0x60: {  	_ =	shalt  }
0x61: {  	_ =	shalt  }
0x62: {  	_ =	shalt  }
0x63: {  	_ =	shalt  }
0x64: {  	_ =	shalt  }
0x65: {  	_ =	shalt  }
0x66: {  	_ =	shalt  }
0x67: {  	_ =	shalt  }
0x68: {  	_ =	shalt  }
0x69: {  	_ =	shalt  }
0x6a: {  	_ =	shalt  }
0x6b: {  	_ =	shalt  }
0x6c: {  	_ =	shalt  }
0x6d: {  	_ =	shalt  }
0x6e: {  	_ =	shalt  }
0x6f: {  	_ =	shalt  }
0x70: {  	_ =	shalt  }
0x71: {  	_ =	shalt  }
0x72: {  	_ =	shalt  }
0x73: {  	_ =	shalt  }
0x74: {  	_ =	shalt  }
0x75: {  	_ =	shalt  }
0x76: {  	_ =	shalt  }
0x77: {  	_ =	shalt  }
0x78: {  	_ =	shalt  }
0x79: {  	_ =	shalt  }
0x7a: {  	_ =	shalt  }
0x7b: {  	_ =	shalt  }
0x7c: {  	_ =	shalt  }
0x7d: {  	_ =	shalt  }
0x7e: {  	_ =	shalt  }
0x7f: {  	_ =	shalt  }
0x80: {  	_ =	shalt  }
0x81: {  	_ =	shalt  }
0x82: {  	_ =	shalt  }
0x83: {  	_ =	shalt  }
0x84: {  	_ =	shalt  }
0x85: {  	_ =	shalt  }
0x86: {  	_ =	shalt  }
0x87: {  	_ =	shalt  }
.Lfunc_end0:
.L_simem_size_0:
called_computation_lowered:
.L_overlay_start_0:
0x88: {  	s2 =	sld [smem:$0x3FD9]  }
0x89: {  	s3 =	sld [smem:$0x3FFE];
	_ =	sdelay $0x1  }
0x8a: {  	s1 =	srdreg.scid  }
0x8b: {  	s0 =	sand.u32 $0x1, s1  }
0x8c: {  	s14 =	sshll.u32 s0, $0xA;
	s2 =	sadd.s32 s3, s2  }
0x8d: {  	s2 =	sadd.s32 s2, s14  }
0x8e: {  	[smem:$0x3FC5] =	sst s2  }
0x8f: {  	_ = 	snop  }
0x90: {  	s2 =	sld [smem:$0x3FD0];
	_ =	sdelay $0x2  }
0x91: {  	s15 =	simm.s32 $0xA;
	s4 =	simm.s32 $0x10  }
0x92: {  	[smem:s4], [sflag:s15] =	dma.local [hbm:s2], $0x1  }
0x93: {  	_ =	swait.eq [sflag:s15], $0x1  }
0x94: {  	[sflag:s15] =	ssyncset.done $0x0  }
0x95: {  	s16 =	sld [smem:$0x10];
	[sflag:s15] =	ssyncadd.s32 $0xFFFFFFFF  }
0x96: {  	s17 =	sld [smem:$0x11];
	(tm) =	ssettm $0x1  }
0x97: {  	s18 =	sld [smem:$0x3FFB];
	_ =	sdelay $0x3  }
0x98: {  	_ =	strace s18  }
0x99: {  	s4 =	sld [smem:$0x3FFC];
	_ =	sdelay $0x3  }
0x9a: {  	_ =	strace s4  }
0x9b: {  	s4 =	sld [smem:$0x3FFD];
	_ =	sdelay $0x3  }
0x9c: {  	_ =	strace s4  }
0x9d: {  	_ =	strace $0x8FFFFFFF  }
0x9e: {  	s19 =	sld [smem:$0x3FDB];
	_ =	sdelay $0x1  }
0x9f: {  	s5 =	simm.s32 $_scs_section_size  }
0xa0: {  	s6 =	simm.s32 $_size__tile_overlayer_lowered;
	s7 =	simm.s32 $_tile_overlayer_lowered  }
0xa1: {  	s22 =	simm.s32 $0x1BFF;
	s21 =	sshll.u32 s7, $0x1;
	s4 =	sadd.s32 s5, s19  }
0xa2: {  	s8 =	simm.s32 $0x0;
	s20 =	sshll.u32 s6, $0x1;
	s6 =	sadd.s32 s21, s4  }
0xa3: {  	[timem:s8], [sflag:s22] =	dma.local [hbm:s6], s20  }
0xa4: {  	_ =	swait.ge [sflag:s22], s20  }
0xa5: {  	s5 =	ssub.s32 $0x0, s20;
	[sflag:s22] =	ssyncset.done $0x0  }
0xa6: {  	[sflag:s22] =	ssyncadd.s32 s5;
	_ =	sdelay $0x1  }
0xa7: {  	s23 =	simm.s32 $0x1B8B  }
0xa8: {  	_ =	swait.ge [sflag:s23], $0x1  }
0xa9: {  	[sflag:s23] =	ssyncset.done $0x0  }
0xaa: {  	s25 =	simm.s32 $0x1B8E;
	s24 =	sld [smem:$0x3FFE];
	[sflag:s23] =	ssyncadd.s32 $0xFFFFFFFF  }
0xab: {  	s26 =	simm.s32 $execute0_lowered;
	[smem:$0x3FD2] =	sst s25  }
0xac: {  	s6 =	sshll.u32 s26, $0x1;
	_ =	strace $0x80000046;
	[dreg:$0x1] =	wrdreg $0xFFFFFFFF  }
0xad: {  	s28 =	simm.s32 $_size_execute0_lowered;
	s4 =	sadd.s32 s4, s6;
	[dreg:$0x0] =	wrdreg $0x0  }
0xae: {  	s6 =	sshll.u32 s28, $0x1;
	[dreg:$0x2] =	wrdreg s4  }
0xaf: {  	[dreg:$0x3] =	wrdreg s6  }
0xb0: {  	[dreg:$0x4] =	wrdreg $0xC0  }
0xb1: {  	_ =	task [dreg:s8], $0x5FFFF  }
0xb2: {  	[dreg:$0x1] =	wrdreg $0xFFFFFFFF  }
0xb3: {  	[dreg:$0x0] =	wrdreg $0x60  }
0xb4: {  	[dreg:$0x2] =	wrdreg s17  }
0xb5: {  	[dreg:$0x3] =	wrdreg s16  }
0xb6: {  	[dreg:$0x4] =	wrdreg s24  }
0xb7: {  	[dreg:$0x5] =	wrdreg $0x9  }
0xb8: {  	_ =	task.clear_ibuf [dreg:s8], $0x6FFFF;
	_ =	strace $0x90000046  }
0xb9: {  	s29 =	simm.s32 $0x9;
	_ =	strace $0x80000048  }
0xba: {  	_ =	swait.ge [sflag:s29], $0x1  }
0xbb: {  	[sflag:s29] =	ssyncadd.s32 $0xFFFFFFFF  }
0xbc: {  	_ =	strace $0x90000048  }
0xbd: {  	_ =	sfence  }
0xbe: {  	s30 =	sld [smem:$0x0];
	_ =	sdelay $0x2  }
0xbf: {  	s31 =	sshll.u32 s1, $0xD;
	s1 =	sshrl.u32 s1, $0x2  }
0xc0: {  	s3 =	sand.u32 $0x4000, s31;
	s1 =	sadd.s32 s1, s30  }
0xc1: {  	s0 =	sor.u32 s3, s0;
	s1 =	sshll.u32 s1, $0x11  }
0xc2: {  	s0 =	sor.u32 s1, s0  }
0xc3: {  	s0 =	sadd.s32 $0x8F2B, s0  }
0xc4: {  	[sflag:s0] =	ssyncadd.remote.s32 $0x1  }
0xc5: {  	_ =	sfence.sel $0xFFFF  }
0xc6: {  	[dreg:$0x0] =	wrdreg $0xFFFFFFFF;
	(pc) =	sbr.abs _section_cstart, $3  }
0xc7: {  	[dreg:$0x1] =	wrdreg $0xFFFFFFFF  }
0xc8: {  	_ =	task.clear_ibuf [dreg:s8], $0x2FFFF;
	_ =	strace $0x9FFFFFFF  }
0xc9: {  	(tm) =	ssettm $0x7FFFFFFF  }
tec
execute0_lowered:
.L_overlay_start_1:
0x0: {  	(tag) =	ssettag $0x1  }
0x1: {  	s6 =	rddreg [dreg:$0x0]  }
0x2: {  	s1 =	rddreg [dreg:$0x1]  }
0x3: {  	s5 =	rddreg [dreg:$0x2];
	s2 =	simm.s32 $0x0  }
0x4: {  	[smem:$0x7FF] =	sst s2  }
0x5: {  	s0 =	rddreg [dreg:$0x3];
	v0 =	vimm.f32 $1.000000010e-01;
	_ =	strace $0x80000047  }
0x6: {  	(erf) = vrcp.f32 v0;
	v0 =	vimm.f32 $2.000000030e-01  }
0x7: {  	(erf) = vrcp.f32 v0;
	_ =	sdelay $0x3  }
0x8: {  	s4 =	srdreg.scid;
	s3 =	stileid.u32  }
0x9: {  	s10 =	simm.s32 $0x19800;
	s11 =	simm.s32 $0x0;
	s4 =	sand.u32 $0x1, s4  }
0xa: {  	s8 =	sshll.u32 s3, $0xC;
	s7 =	ssub.s32 $0x2, s4;
	s4 =	sshll.u32 s4, $0xB  }
0xb: {  	s5 =	sadd.s32 $0x1000, s5;
	s9 =	sshrl.u32 s7, $0x1;
	s4 =	sor.u32 s4, s8  }
0xc: {  	s7 =	ssub.s32 s7, s9;
	s8 =	sshrl.u32 s4, $0x3;
	s9 =	simm.s32 $0x800;
	v0 =	vpop (erf)  }
0xd: {  	s6 =	sadd.s32 s6, s8;
	s7 =	smax.u32 s7, $0x1;
	s8 =	simm.s32 $0x1;
	v1 =	vpop (erf)  }
.LBB2_1:
0xe: {  	[tilespmem:s2], [sflag:$0x1] =	stream.linear.gather [hbm4b:s6+s2], $0x800, $0x38;
	[tilespmem:$0x1A000] =	vst v63  }
0xf: {  	_ =	swait.ge [sflag:s8], $0x800  }
0x10: {  	[sflag:s8] =	ssyncset.done $0x0  }
0x11: {  	s12 =	simm.s32 $0x0;
	[sflag:s8] =	ssyncadd.s32 $0xFFFFF800  }
.LBB2_2:
0x12: {  	s13 =	smul.u32 $0x3200, s12;
	_ =	sdelay $0x1  }
0x13: {  	s14 =	sadd.s32 s1, s13;
	s13 =	simm.s32 $0x0  }
0x14: {  	[tilespmem:s9], [sflag:$0x1] =	stream.linear.gather [hbm4b:s14+s13], $0x19000, $0x38;
	[tilespmem:$0x1A000] =	vst v63  }
0x15: {  	_ =	swait.ge [sflag:s8], $0x19000  }
0x16: {  	[sflag:s8] =	ssyncset.done $0x0  }
0x17: {  	[sflag:s8] =	ssyncadd.s32 $0xFFFE7000  }
.LBB2_3:
0x18: {  	s23 =	simm.s32 $0x0  }
0x19: {  	v34 =	vld [tilespmem:s23+$0x980]  }
0x1a: {  	s18 =	sshll.u32 s13, $0x4;
	s21 =	sshll.u32 s13, $0x7;
	v11 =	vld [tilespmem:s23+$0x900]  }
0x1b: {  	s14 =	sand.u32 $0x70, s18;
	s15 =	sand.u32 $0x400, s21;
	v8 =	vld [tilespmem:s23+$0x880]  }
0x1c: {  	v3 =	vld [tilespmem:s23+$0x800];
	s16 =	sor.u32 s14, s15  }
0x1d: {  	s17 =	sor.u32 s18, s15;
	v16 =	vld [tilespmem:s16+$0x0]  }
0x1e: {  	s15 =	sor.u32 $0x80, s17;
	v17 =	vld [tilespmem:s16+$0x100]  }
0x1f: {  	s14 =	sor.u32 $0x180, s17;
	v18 =	vld [tilespmem:s15+$0x0]  }
0x20: {  	v20 =	vld [tilespmem:s14+$0x0]  }
0x21: {  	v7 =	vld [tilespmem:s16+$0x200];
	s17 =	sor.u32 $0x280, s17  }
0x22: {  	v6 =	vld [tilespmem:s17+$0x0];
	_ =	sdelay $0x1  }
0x23: {  	v2 =	vld [tilespmem:s23+$0xA00];
	v5 =	vmin.f32 v17, v11  }
0x24: {  	s22 =	simm.s32 $0x400;
	v10 =	vmax.f32 v16, v3;
	v4 =	vmin.f32 v20, v34;
	v9 =	vmax.f32 v18, v8  }
0x25: {  	v12 =	vld [tilespmem:s22+$0x980];
	v5 =	vsub.f32 v5, v10;
	v4 =	vsub.f32 v4, v9  }
0x26: {  	v15 =	vld [tilespmem:s22+$0x900];
	v21 =	vmul.f32 v6, v7  }
0x27: {  	v19 =	vld [tilespmem:s22+$0x800];
	v5 =	vmax.f32 v5, $0.0e+00;
	v4 =	vmax.f32 v4, $0.0e+00  }
0x28: {  	v9 =	vld [tilespmem:s22+$0x880];
	v2 =	vadd.f32 v2, v21;
	v5 =	vmul.f32 v4, v5;
	_ =	sdelay $0x1  }
0x29: {  	s19 =	simm.s32 $0x800;
	v2 =	vsub.f32 v2, v5  }
0x2a: {  	v13 =	vld [tilespmem:s19+$0x980]  }
0x2b: {  	v22 =	vmax.f32 v16, v19;
	v4 =	vld [tilespmem:s22+$0xA00];
	(erf) = vrcp.f32 v2  }
0x2c: {  	v14 =	vld [tilespmem:s19+$0x900];
	v24 =	vmin.f32 v20, v12;
	v25 =	vmax.f32 v18, v9;
	v2 =	vmin.f32 v17, v15  }
0x2d: {  	v23 =	vld [tilespmem:s19+$0x800];
	v2 =	vsub.f32 v2, v22;
	v22 =	vsub.f32 v24, v25  }
0x2e: {  	v10 =	vld [tilespmem:s19+$0x880]  }
0x2f: {  	v2 =	vmax.f32 v2, $0.0e+00;
	v22 =	vmax.f32 v22, $0.0e+00  }
0x30: {  	s20 =	simm.s32 $0xC00;
	v30 =	vld [tilespmem:s19+$0xA00];
	v4 =	vadd.f32 v4, v21;
	v27 =	vmul.f32 v22, v2  }
0x31: {  	v26 =	vld [tilespmem:s20+$0x900]  }
0x32: {  	v28 =	vmin.f32 v17, v14;
	v24 =	vld [tilespmem:s20+$0x980];
	v32 =	vsub.f32 v4, v27  }
0x33: {  	v31 =	vmax.f32 v16, v23;
	v29 =	vmax.f32 v18, v10;
	v25 =	vmin.f32 v20, v13;
	v22 =	vld [tilespmem:s20+$0x880]  }
0x34: {  	v2 =	vsub.f32 v25, v29;
	v29 =	vsub.f32 v28, v31;
	v25 =	vld [tilespmem:s20+$0x800];
	v35 =	vpop (erf);
	(erf) = vrcp.f32 v32;
	_ =	sdelay $0x1  }
0x35: {  	v33 =	vld [tilespmem:s23+$0xA80];
	s18 =	sor.u32 s21, s18;
	v38 =	vmin.f32 v17, v26;
	v29 =	vmax.f32 v29, $0.0e+00;
	v2 =	vmax.f32 v2, $0.0e+00  }
0x36: {  	s18 =	sor.u32 $0x380, s18;
	v30 =	vadd.f32 v30, v21;
	v31 =	vimm.f32 $-1.000000000e+00;
	v4 =	vld [tilespmem:s16+$0x300];
	v29 =	vmul.f32 v2, v29  }
0x37: {  	s24 =	simm.s32 $0x1000;
	v28 =	vimm.f32 $0.0e+00;
	v37 =	vmin.f32 v20, v24;
	v2 =	vld [tilespmem:s18+$0x0];
	v36 =	vmul.f32 v35, v5  }
0x38: {  	v39 =	vsub.f32 v30, v29;
	v40 =	vmax.f32 v18, v22;
	v63 =	vmax.f32 v16, v25;
	v30 =	vld [tilespmem:s24+$0x980]  }
0x39: {  	v35 =	vld [tilespmem:s20+$0xA00];
	v37 =	vsub.f32 v37, v40;
	v38 =	vsub.f32 v38, v63;
	vm0 =	vgt.f32 v36, v31  }
0x3a: {  	s25 =	simm.s32 $0x5000;
	v5 =	vld [tilespmem:s22+$0xA80];
	(erf) = vrcp.f32 v39;
	v31 =	vsel vm0, v36, v31;
	v32 =	vsel vm0, v3, v28  }
0x3b: {  	s21 =	sor.u32 $0x100, s16;
	s23 =	sor.u32 $0x200, s16;
	s22 =	sor.u32 $0x300, s16;
	v3 =	vsel vm0, v33, v28;
	v33 =	vld [tilespmem:s24+$0x900];
	v34 =	vsel vm0, v34, v28;
	v36 =	vimm.f32 $0.0e+00  }
.LBB2_4:
0x3c: {  	v39 =	vpop (erf);
	v28 =	vsel vm0, v8, v28;
	v36 =	vsel vm0, v11, v36;
	v8 =	vmov v9  }
0x3d: {  	p0 =	sne.s32 s25, $0x63000;
	v9 =	vmovc v10;
	v10 =	vmovc v22;
	v22 =	vld [tilespmem:s24+$0x880];
	v40 =	vmov v13;
	v13 =	vmov v24;
	v11 =	vmov v15;
	s26 =	smov.u32 s25;
	s25 =	sadd.s32 $0x1000, s25  }
0x3e: {  	v37 =	vmax.f32 v37, $0.0e+00;
	v15 =	vmovc v14;
	v14 =	vmov v26;
	v41 =	vld [tilespmem:s24+$0x800];
	v42 =	vmax.f32 v38, $0.0e+00  }
0x3f: {  	v44 =	vadd.f32 v35, v21;
	v38 =	vmul.f32 v39, v27;
	v27 =	vmovc v29;
	v35 =	vld [tilespmem:s24+$0xA00];
	v29 =	vmul.f32 v37, v42  }
.Ltmp0:
0x40: {  	v39 =	vmov v5;
	v37 =	vmin.f32 v20, v30;
	v24 =	vmov v30;
	(pc) =	sbr.rel @p0 .LBB2_4-.Ltmp0, $4  }
0x41: {  	vm0 =	vgt.f32 v38, v31;
	v42 =	vmin.f32 v17, v33;
	v43 =	vsub.f32 v44, v29;
	v26 =	vmovc v33  }
0x42: {  	v31 =	vsel vm0, v38, v31;
	v32 =	vsel vm0, v19, v32;
	v19 =	vmovc v23;
	v33 =	vmax.f32 v18, v22;
	v5 =	vld [tilespmem:s19+$0xA80];
	s19 =	smov.u32 s20;
	s20 =	smov.u32 s24;
	s24 =	sshra.s32 s26, $0x2  }
0x43: {  	v3 =	vsel vm0, v39, v3;
	v23 =	vmovc v25;
	v30 =	vld [tilespmem:s24+$0x980];
	v38 =	vmax.f32 v16, v41;
	v37 =	vsub.f32 v37, v33  }
0x44: {  	v34 =	vsel vm0, v12, v34;
	v12 =	vmovc v40;
	v25 =	vmovc v41;
	v33 =	vld [tilespmem:s24+$0x900];
	v38 =	vsub.f32 v42, v38;
	(erf) = vrcp.f32 v43  }
0x45: {  	v39 =	vld [tilespmem:s24+$0x880]  }
0x46: {  	v40 =	vld [tilespmem:s24+$0x800];
	_ =	sdelay $0x3  }
0x47: {  	v41 =	vld [tilespmem:s24+$0xA00];
	v37 =	vmax.f32 v37, $0.0e+00;
	v20 =	vmin.f32 v20, v30  }
0x48: {  	v17 =	vmin.f32 v17, v33;
	v18 =	vmax.f32 v18, v39;
	v16 =	vmax.f32 v16, v40  }
0x49: {  	v57 =	vmax.f32 v38, $0.0e+00;
	v18 =	vsub.f32 v20, v18;
	v16 =	vsub.f32 v17, v16  }
0x4a: {  	v59 =	vadd.f32 v35, v21;
	v58 =	vmul.f32 v37, v57  }
0x4b: {  	v16 =	vmax.f32 v16, $0.0e+00;
	v18 =	vmax.f32 v18, $0.0e+00  }
0x4c: {  	v60 =	vadd.f32 v41, v21;
	v20 =	vsub.f32 v59, v58;
	v16 =	vmul.f32 v18, v16;
	_ =	sdelay $0x1  }
0x4d: {  	(erf) = vrcp.f32 v20;
	v18 =	vsub.f32 v60, v16;
	_ =	sdelay $0x1  }
0x4e: {  	(erf) = vrcp.f32 v18;
	_ =	sdelay $0x1  }
0x4f: {  	v61 =	vpop (erf)  }
0x50: {  	v18 =	vmul.f32 v61, v27  }
0x51: {  	v8 =	vsel vm0, v8, v28  }
0x52: {  	v11 =	vsel vm0, v11, v36;
	v62 =	vpop (erf);
	(erf) = vrcp.f32 v7;
	vm12 =	vgt.f32 v18, v31  }
0x53: {  	v20 =	vmul.f32 v62, v29;
	(erf) = vrcp.f32 v6;
	v63 =	vsel vm12, v18, v31  }
0x54: {  	v21 =	vsel vm12, v19, v32;
	v12 =	vsel vm12, v12, v34;
	v8 =	vsel vm12, v9, v8;
	v27 =	vpop (erf)  }
0x55: {  	v29 =	vsel vm12, v15, v11;
	vm1 =	vgt.f32 v20, v63;
	v17 =	vmul.f32 v27, v58  }
0x56: {  	v7 =	vsel vm1, v20, v63;
	v31 =	vsel vm1, v23, v21;
	v12 =	vsel vm1, v13, v12;
	v28 =	vpop (erf)  }
0x57: {  	v9 =	vsel vm1, v14, v29;
	vm2 =	vgt.f32 v17, v7;
	v6 =	vmul.f32 v28, v16  }
0x58: {  	v8 =	vsel vm1, v10, v8;
	v7 =	vsel vm2, v17, v7;
	v11 =	vsel vm2, v25, v31  }
0x59: {  	v9 =	vsel vm2, v26, v9;
	v8 =	vsel vm2, v22, v8;
	vm3 =	vgt.f32 v6, v7  }
0x5a: {  	v32 =	vsel vm3, v40, v11;
	v9 =	vsel vm3, v33, v9;
	v33 =	vsel vm2, v24, v12  }
0x5b: {  	v8 =	vsel vm3, v39, v8;
	v9 =	vsub.f32 v9, v32;
	v11 =	vsel vm3, v30, v33  }
0x5c: {  	v34 =	vpop (erf);
	v11 =	vsub.f32 v11, v8  }
0x5d: {  	v36 =	vpop (erf);
	v35 =	vmul.f32 v9, v34  }
0x5e: {  	v38 =	vmul.f32 v11, v36  }
0x5f: {  	v37 =	vand.u32 $0x7FFFFF, v35  }
0x60: {  	v15 =	vor.u32 $0x3F800000, v37;
	v40 =	vand.u32 $0x7FFFFF, v38  }
0x61: {  	v39 =	vadd.f32 $1.000000000e+00, v15;
	v18 =	vor.u32 $0x3F800000, v40  }
0x62: {  	v41 =	vadd.f32 $1.000000000e+00, v18  }
0x63: {  	(erf) = vrcp.f32 v39  }
0x64: {  	(erf) = vrcp.f32 v41;
	_ =	sdelay $0x6  }
0x65: {  	v15 =	vadd.f32 $-1.000000000e+00, v15  }
0x66: {  	v43 =	vadd.f32 $-1.000000000e+00, v18;
	v42 =	vpop (erf)  }
0x67: {  	v15 =	vmul.f32 v42, v15;
	v44 =	vpop (erf)  }
0x68: {  	v17 =	vmul.f32 v44, v43  }
0x69: {  	v45 =	vmul.f32 v15, v15  }
0x6a: {  	v47 =	vmul.f32 v17, v17  }
0x6b: {  	v46 =	vmul.f32 $9.090909360e-02, v45  }
0x6c: {  	v48 =	vmul.f32 $9.090909360e-02, v47  }
0x6d: {  	v18 =	vadd.f32 $1.111111120e-01, v46  }
0x6e: {  	v21 =	vadd.f32 $1.111111120e-01, v48  }
0x6f: {  	v18 =	vmul.f32 v18, v45  }
0x70: {  	v21 =	vmul.f32 v21, v47  }
0x71: {  	v18 =	vadd.f32 $1.428571490e-01, v18  }
0x72: {  	v21 =	vadd.f32 $1.428571490e-01, v21  }
0x73: {  	v18 =	vmul.f32 v18, v45  }
0x74: {  	v21 =	vmul.f32 v21, v47  }
0x75: {  	v9 =	vmul.f32 $5.000000000e-01, v9;
	v18 =	vadd.f32 $2.000000030e-01, v18  }
0x76: {  	v49 =	vmul.f32 $5.000000000e-01, v11;
	v21 =	vadd.f32 $2.000000030e-01, v21  }
0x77: {  	v9 =	vadd.f32 v9, v32;
	v52 =	vshrl.u32 v35, $0x17;
	v18 =	vmul.f32 v18, v45  }
0x78: {  	v8 =	vadd.f32 v49, v8;
	v55 =	vshrl.u32 v38, $0x17;
	v51 =	vmul.f32 v21, v47  }
0x79: {  	v4 =	vsub.f32 v9, v4;
	v9 =	vand.u32 $0xFF, v52;
	v50 =	vadd.f32 $3.333333430e-01, v18  }
0x7a: {  	v12 =	vand.u32 $0xFF, v55;
	v9 =	vadd.s32 $0xFFFFFF81, v9;
	v54 =	vadd.f32 $3.333333430e-01, v51  }
0x7b: {  	v56 =	vld [tilespmem:s19+$0xA80];
	v12 =	vadd.s32 $0xFFFFFF81, v12;
	v4 =	vmul.f32 v4, v34;
	v53 =	vmul.f32 v50, v45  }
0x7c: {  	v57 =	vld [tilespmem:s20+$0xA80];
	v2 =	vsub.f32 v8, v2;
	v9 =	vcvt.s32.f32 v9;
	v11 =	vmul.f32 v54, v47  }
0x7d: {  	v12 =	vcvt.s32.f32 v12;
	v15 =	vadd.f32 v15, v15;
	v10 =	vadd.f32 $1.000000000e+00, v53  }
0x7e: {  	v58 =	vld [tilespmem:s24+$0xA80];
	v2 =	vmul.f32 v2, v36;
	v17 =	vadd.f32 v17, v17;
	v11 =	vadd.f32 $1.000000000e+00, v11  }
0x7f: {  	v3 =	vsel vm12, v5, v3;
	v59 =	vmul.f32 $6.931471820e-01, v9;
	v60 =	vmul.f32 v10, v15  }
0x80: {  	v3 =	vsel vm1, v56, v3;
	v61 =	vmul.f32 $6.931471820e-01, v12;
	v62 =	vmul.f32 v11, v17  }
0x81: {  	v3 =	vsel vm2, v57, v3;
	v4 =	vmul.f32 v4, v0;
	v8 =	vadd.f32 v60, v59  }
0x82: {  	v6 =	vsel vm3, v6, v7;
	v2 =	vmul.f32 v2, v0;
	v5 =	vadd.f32 v62, v61  }
0x83: {  	v3 =	vsel vm3, v58, v3;
	vm13 =	vge.f32 v6, $5.000000000e-01;
	[tilespmem:s16+$0x19800] =	vst v4;
	v63 =	vmul.f32 v8, v1  }
0x84: {  	s13 =	sadd.s32 $0x1, s13;
	vm14 =	vge.f32 v6, $4.000000060e-01;
	vm15 =	vlt.f32 v6, $5.000000000e-01;
	[tilespmem:s15+$0x19800] =	vst v2;
	v5 =	vmul.f32 v5, v1  }
0x85: {  	p0 =	sne.s32 s13, $0x10;
	vm1 =	vmand vm14, vm15;
	v2 =	vnsel vm13, $0xBF800000, v3;
	[tilespmem:s21+$0x19800] =	vst v63  }
.Ltmp1:
0x86: {  	v2 =	vsel vm1, $0xC0000000, v2;
	[tilespmem:s14+$0x19800] =	vst v5;
	(pc) =	sbr.rel @p0 .LBB2_3-.Ltmp1, $4  }
0x87: {  	[tilespmem:s23+$0x19800] =	vst v2  }
0x88: {  	[tilespmem:s17+$0x19800] =	vst v2  }
0x89: {  	[tilespmem:s22+$0x19800] =	vst v2  }
0x8a: {  	[tilespmem:s18+$0x19800] =	vst v2  }
0x8b: {  	s13 =	sshll.u32 s12, $0x10  }
0x8c: {  	s12 =	sadd.s32 $0x1, s12;
	s13 =	sor.u32 s4, s13  }
0x8d: {  	p0 =	sne.s32 s12, $0x8;
	s13 =	sshrl.u32 s13, $0x3  }
.Ltmp2:
0x8e: {  	s13 =	sadd.s32 s5, s13;
	(pc) =	sbr.rel @p0 .LBB2_2-.Ltmp2, $4  }
0x8f: {  	[hbm4b:s13+s2] =	stream.linear.scatter [tilespmem:s10], [sflag:$0x1], $0x800, $0x38;
	[tilespmem:$0x1A000] =	vst v63  }
0x90: {  	_ =	swait.ge [sflag:s8], $0x800  }
0x91: {  	[sflag:s8] =	ssyncset.done $0x0  }
0x92: {  	[sflag:s8] =	ssyncadd.s32 $0xFFFFF800  }
0x93: {  	s11 =	sadd.s32 $0x1, s11  }
0x94: {  	p0 =	sne.s32 s11, s7  }
.Ltmp3:
0x95: {  	_ = 	snop;
	(pc) =	sbr.rel @p0 .LBB2_1-.Ltmp3, $1  }
0x96: {  	_ =	sdelay $0x3  }
0x97: {  	_ =	sfence.sel $0x180000  }
0x98: {  	[bflag:$0x0] =	sbarrier.arrive $0xFFFF  }
0x99: {  	p0 =	sne.s32 s3, $0x0;
	_ =	strace $0x90000047  }
0x9a: {  	s0 =	sadd.s32 @!p0 $0x100000, s0;
	[bflag:$0x2] =	sbarrier.arrive $0xFFFF  }
0x9b: {  	[sflag:s0] =	ssyncadd.tile.s32 @!p0 $0x1;
	_ =	shalt  }
.Lfunc_end2:
_tile_overlayer_lowered:
.L_overlay_start_2:
0x9c: {  	(tag) =	ssettag $0x2  }
0x9d: {  	s0 =	rddreg [dreg:$0x0];
	s2 =	stileid.u32  }
0x9e: {  	s1 =	rddreg [dreg:$0x1];
	p0 =	sne.s32 s2, $0x0  }
0x9f: {  	s3 =	rddreg [dreg:$0x2];
	[bflag:$0x3] =	sbarrier.arrive $0xFFFF;
	s2 =	simm.s32 @!p0 $0x1C01  }
0xa0: {  	[timem:s3], [sflag:s2] =	dma.local @!p0 [hbm:s0], s1  }
0xa1: {  	s0 =	simm.s32 @!p0 $0x1  }
0xa2: {  	_ =	swait.ge @!p0 [sflag:s0], s1  }
0xa3: {  	s1 =	ssub.s32 @!p0 $0x0, s1;
	[sflag:s0] =	ssyncset.done @!p0 $0x0  }
0xa4: {  	[sflag:s0] =	ssyncadd.s32 @!p0 s1  }
0xa5: {  	[bflag:$0x3] =	sbarrier.arrive $0xFFFF  }
0xa6: {  	_ =	shalt  }

</sc_bundles>
